<compile_context>
chip_gen: v7x
topology: tpu7x:2x2x1
jax: 0.10.2.dev20260603
libtpu: 0.0.44.dev20260713+nightly
codegen_flags: <defaults>
</compile_context>

<pallas_src>
import jax
import jax.numpy as jnp
from jax.experimental import pallas as pl
from jax.experimental.pallas import tpu as pltpu

E = 8
TOPK = 2
D = 1024
F = 768
FS = 1536
T = 2048

TM = 256
CH = 128
NP = T * TOPK


def _shared_router_kernel(x_ref, wr_ref, wsgu_ref, wsd_ref, wsg_ref,
                          sh_ref, aux_ref, cnt_ref):
    i = pl.program_id(0)

    @pl.when(i == 0)
    def _init():
        cnt_ref[...] = jnp.zeros_like(cnt_ref)

    x32 = x_ref[...]
    xb = x32.astype(jnp.bfloat16)
    gu = jnp.dot(xb, wsgu_ref[...], preferred_element_type=jnp.float32)
    g = gu[:, :FS]
    u = gu[:, FS:]
    h = (u * g * jax.nn.sigmoid(g)).astype(jnp.bfloat16)
    sh = jnp.dot(h, wsd_ref[...], preferred_element_type=jnp.float32)
    sg_logit = jnp.sum(x32 * wsg_ref[...].reshape(1, D), axis=1, keepdims=True)
    sh_ref[...] = sh * jax.nn.sigmoid(sg_logit)

    logits = jnp.dot(xb, wr_ref[...],
                     preferred_element_type=jnp.float32)
    cols = jax.lax.broadcasted_iota(jnp.int32, (TM, E), 1)
    m1 = jnp.max(logits, axis=1, keepdims=True)
    i1 = jnp.min(jnp.where(logits == m1, cols, E), axis=1, keepdims=True)
    masked = jnp.where(cols == i1, -jnp.inf, logits)
    m2 = jnp.max(masked, axis=1, keepdims=True)
    i2 = jnp.min(jnp.where(masked == m2, cols, E), axis=1, keepdims=True)
    w1 = jax.nn.sigmoid(m1 - m2)

    o1 = (cols == i1).astype(jnp.float32)
    o2 = (cols == i2).astype(jnp.float32)
    s = o1 + o2
    tri = (jax.lax.broadcasted_iota(jnp.int32, (TM, TM), 0)
           > jax.lax.broadcasted_iota(jnp.int32, (TM, TM), 1)
           ).astype(jnp.float32)
    excl = jnp.dot(tri, s, preferred_element_type=jnp.float32)
    cnt = cnt_ref[...]
    base = excl + cnt
    grank1 = jnp.sum(base * o1, axis=1, keepdims=True)
    grank2 = jnp.sum((base + o1) * o2, axis=1, keepdims=True)
    cnt_new = cnt + jnp.sum(s, axis=0, keepdims=True)
    cnt_ref[...] = cnt_new

    lane = jax.lax.broadcasted_iota(jnp.int32, (TM, 128), 1)
    lane_r = jax.lax.broadcasted_iota(jnp.int32, (1, 128), 1)
    cnt128 = jnp.zeros((1, 128), jnp.float32)
    for ei in range(E):
        cnt128 = jnp.where(lane_r == 8 + ei, cnt_new[0, ei], cnt128)
    aux = jnp.where(lane == 0, i1.astype(jnp.float32),
          jnp.where(lane == 1, i2.astype(jnp.float32),
          jnp.where(lane == 2, w1,
          jnp.where(lane == 3, grank1,
          jnp.where(lane == 4, grank2, cnt128)))))
    aux_ref[...] = aux


def _grouped_mlp_kernel(offs, x_ref, w_ref, wgu_hbm, wd_hbm, out_ref,
                        wgu_buf, wd_buf, sem_gu, sem_d):

    def start_copy(e, slot):
        pltpu.make_async_copy(wgu_hbm.at[e], wgu_buf.at[slot],
                              sem_gu.at[slot]).start()
        pltpu.make_async_copy(wd_hbm.at[e], wd_buf.at[slot],
                              sem_d.at[slot]).start()

    def wait_copy(e, slot):
        pltpu.make_async_copy(wgu_hbm.at[e], wgu_buf.at[slot],
                              sem_gu.at[slot]).wait()
        pltpu.make_async_copy(wd_hbm.at[e], wd_buf.at[slot],
                              sem_d.at[slot]).wait()

    start_copy(0, 0)

    def expert_loop(e, _):
        slot = jax.lax.rem(e, 2)

        @pl.when(e + 1 < E)
        def _prefetch():
            start_copy(e + 1, 1 - slot)

        wait_copy(e, slot)
        wgu = wgu_buf[slot]
        wd = wd_buf[slot]
        start = offs[e]
        end = offs[e + 1]

        def body(c, _):
            base = c * CH
            xb = x_ref[pl.ds(base, CH), :]
            gu = jnp.dot(xb, wgu, preferred_element_type=jnp.float32)
            g = gu[:, :F]
            u = gu[:, F:]
            h = (u * g * jax.nn.sigmoid(g)).astype(jnp.bfloat16)
            y = jnp.dot(h, wd, preferred_element_type=jnp.float32)
            y = y * w_ref[pl.ds(base, CH), :]
            rows = base + jax.lax.broadcasted_iota(jnp.int32, (CH, 1), 0)
            mask = (rows >= start) & (rows < end)
            cur = out_ref[pl.ds(base, CH), :]
            out_ref[pl.ds(base, CH), :] = jnp.where(
                mask, y.astype(jnp.bfloat16), cur)
            return 0

        jax.lax.fori_loop(start // CH, pl.cdiv(end, CH), body, 0)
        return 0

    jax.lax.fori_loop(0, E, expert_loop, 0)


def kernel(hidden_states, W_router, W_gate_up, W_down, Ws_gate_up, Ws_down,
           w_shared_gate):
    x = hidden_states
    xb16 = x.astype(jnp.bfloat16)
    wgu16 = W_gate_up.astype(jnp.bfloat16)
    wd16 = W_down.astype(jnp.bfloat16)
    wsgu16 = Ws_gate_up.astype(jnp.bfloat16)
    wsd16 = Ws_down.astype(jnp.bfloat16)

    shared, aux = pl.pallas_call(
        _shared_router_kernel,
        grid=(T // TM,),
        in_specs=[
            pl.BlockSpec((TM, D), lambda i: (i, 0)),
            pl.BlockSpec((D, E), lambda i: (0, 0)),
            pl.BlockSpec((D, 2 * FS), lambda i: (0, 0)),
            pl.BlockSpec((FS, D), lambda i: (0, 0)),
            pl.BlockSpec((D, 1), lambda i: (0, 0)),
        ],
        out_specs=[
            pl.BlockSpec((TM, D), lambda i: (i, 0)),
            pl.BlockSpec((TM, 128), lambda i: (i, 0)),
        ],
        out_shape=[
            jax.ShapeDtypeStruct((T, D), jnp.float32),
            jax.ShapeDtypeStruct((T, 128), jnp.float32),
        ],
        scratch_shapes=[pltpu.VMEM((1, E), jnp.float32)],
        compiler_params=pltpu.CompilerParams(
            dimension_semantics=("arbitrary",)),
    )(x, W_router.astype(jnp.bfloat16), wsgu16, wsd16, w_shared_gate)

    i1 = aux[:, 0].astype(jnp.int32)
    i2 = aux[:, 1].astype(jnp.int32)
    w1 = aux[:, 2]
    flat_e = jnp.stack([i1, i2], axis=1).reshape(-1)
    flat_w = jnp.stack([w1, 1.0 - w1], axis=1).reshape(-1)
    grank = jnp.stack([aux[:, 3], aux[:, 4]], axis=1).reshape(-1)
    grank = grank.astype(jnp.int32)
    counts = aux[T - 1, 8:8 + E].astype(jnp.int32)
    offs = jnp.concatenate(
        [jnp.zeros(1, jnp.int32), jnp.cumsum(counts).astype(jnp.int32)])

    dest = offs[flat_e] + grank
    sorted_pair = jnp.zeros((NP,), jnp.int32).at[dest].set(
        jnp.arange(NP, dtype=jnp.int32), unique_indices=True)
    sorted_tok = sorted_pair // TOPK
    sorted_w = flat_w[sorted_pair].reshape(-1, 1)
    x_sorted = xb16[sorted_tok]

    out_sorted = pl.pallas_call(
        _grouped_mlp_kernel,
        grid_spec=pltpu.PrefetchScalarGridSpec(
            num_scalar_prefetch=1,
            grid=(1,),
            in_specs=[
                pl.BlockSpec((NP, D), lambda i, offs: (0, 0)),
                pl.BlockSpec((NP, 1), lambda i, offs: (0, 0)),
                pl.BlockSpec(memory_space=pltpu.MemorySpace.HBM),
                pl.BlockSpec(memory_space=pltpu.MemorySpace.HBM),
            ],
            out_specs=pl.BlockSpec((NP, D), lambda i, offs: (0, 0)),
            scratch_shapes=[
                pltpu.VMEM((2, D, 2 * F), jnp.bfloat16),
                pltpu.VMEM((2, F, D), jnp.bfloat16),
                pltpu.SemaphoreType.DMA((2,)),
                pltpu.SemaphoreType.DMA((2,)),
            ],
        ),
        out_shape=jax.ShapeDtypeStruct((NP, D), jnp.bfloat16),
        compiler_params=pltpu.CompilerParams(
            dimension_semantics=("arbitrary",)),
    )(offs, x_sorted, sorted_w, wgu16, wd16)

    routed = out_sorted[dest].astype(jnp.float32).reshape(T, TOPK, D)
    return shared + routed.sum(axis=1)

# --- scband reference (transcript-rebuilt; emitter-appended) ---
"""Pipeline reference for scband-qwen3-omni-moe-talker-text-model-26938034880834 (READ-ONLY COPY).

The authoritative reference and input builder live on the scoring server;
editing this copy changes nothing except your own understanding.
"""

import jax, jax.numpy as jnp
import numpy as np

E = 8        # num_experts
TOPK = 2     # top_k
D = 1024     # hidden_size
F = 768      # moe_intermediate_size (per routed expert)
FS = 1536    # shared_expert_intermediate_size
T = 2048     # num_tokens = batch(1) * seq_len(2048)


def setup_inputs(seed: int = 0) -> dict:
    key = jax.random.key(seed)
    ks = jax.random.split(key, 7)
    s = 0.02
    hidden_states = jax.random.normal(ks[0], (T, D), dtype=jnp.float32)
    W_router = jax.random.normal(ks[1], (D, E), dtype=jnp.float32) * s
    W_gate_up = jax.random.normal(ks[2], (E, D, 2 * F), dtype=jnp.float32) * s
    W_down = jax.random.normal(ks[3], (E, F, D), dtype=jnp.float32) * s
    Ws_gate_up = jax.random.normal(ks[4], (D, 2 * FS), dtype=jnp.float32) * s
    Ws_down = jax.random.normal(ks[5], (FS, D), dtype=jnp.float32) * s
    w_shared_gate = jax.random.normal(ks[6], (D, 1), dtype=jnp.float32) * s
    return {
        'hidden_states': hidden_states,
        'W_router': W_router,
        'W_gate_up': W_gate_up,
        'W_down': W_down,
        'Ws_gate_up': Ws_gate_up,
        'Ws_down': Ws_down,
        'w_shared_gate': w_shared_gate,
    }


def reference(hidden_states, W_router, W_gate_up, W_down, Ws_gate_up, Ws_down, w_shared_gate):
    x = hidden_states
    # ---- shared expert: down(silu(gate(x)) * up(x)) gated by sigmoid(x @ w_sg) ----
    gu = x @ Ws_gate_up                                   # [T, 2*FS]
    g, u = jnp.split(gu, 2, axis=-1)
    shared_output = (jax.nn.silu(g) * u) @ Ws_down        # [T, D]
    shared_gate = jax.nn.sigmoid(x @ w_shared_gate)       # [T, 1]
    shared_output = shared_output * shared_gate
    # ---- router: softmax -> top-k -> renormalize (norm_topk_prob=True) ----
    router_logits = x @ W_router                          # [T, E]
    probs = jax.nn.softmax(router_logits.astype(jnp.float32), axis=-1)
    topk_w, topk_idx = jax.lax.top_k(probs, TOPK)         # [T, k]
    topk_w = topk_w / jnp.sum(topk_w, axis=-1, keepdims=True)
    combine = jnp.zeros((T, E), dtype=jnp.float32).at[
        jnp.arange(T)[:, None], topk_idx
    ].add(topk_w)                                         # [T, E] dispatch/combine weights
    # ---- routed experts (dense dispatch; mathematically identical to sparse) ----
    gu_e = jnp.einsum('td,edf->etf', x, W_gate_up)        # [E, T, 2F]
    g_e, u_e = jnp.split(gu_e, 2, axis=-1)
    h_e = jax.nn.silu(g_e) * u_e                          # [E, T, F]
    out_e = jnp.einsum('etf,efd->etd', h_e, W_down)       # [E, T, D]
    routed_output = jnp.einsum('te,etd->td', combine, out_e)  # [T, D]
    final = routed_output + shared_output
    return final.reshape(T, D)

if __name__ == "__main__":
    import jax
    _d = setup_inputs()
    print(jax.jit(kernel)(*tuple(_d.values())))

</pallas_src>

<mosaic_0001>
module attributes {stable_mosaic.version = 14 : i64} {
  func.func @_shared_router_kernel(%arg0: i32, %arg1: memref<256x1024xf32, #tpu.memory_space<vmem>>, %arg2: memref<1024x8xbf16, #tpu.memory_space<vmem>>, %arg3: memref<1024x3072xbf16, #tpu.memory_space<vmem>>, %arg4: memref<1536x1024xbf16, #tpu.memory_space<vmem>>, %arg5: memref<1024x1xf32, #tpu.memory_space<vmem>>, %arg6: memref<256x1024xf32, #tpu.memory_space<vmem>>, %arg7: memref<256x128xf32, #tpu.memory_space<vmem>>, %arg8: memref<1x8xf32, #tpu.memory_space<vmem>>) attributes {dimension_semantics = [#tpu.dimension_semantics<arbitrary>], iteration_bounds = array<i64: 8>, scalar_prefetch = 0 : i64, scratch_operands = 1 : i64, tpu.core_type = #tpu.core_type<tc>, window_params = [{transform_indices = @transform_0, window_bounds = array<i64: 256, 1024>}, {pipeline_mode = #tpu.pipeline_mode<synchronous>, transform_indices = @transform_1, window_bounds = array<i64: 1024, 8>}, {pipeline_mode = #tpu.pipeline_mode<synchronous>, transform_indices = @transform_2, window_bounds = array<i64: 1024, 3072>}, {pipeline_mode = #tpu.pipeline_mode<synchronous>, transform_indices = @transform_3, window_bounds = array<i64: 1536, 1024>}, {pipeline_mode = #tpu.pipeline_mode<synchronous>, transform_indices = @transform_4, window_bounds = array<i64: 1024, 1>}, {transform_indices = @transform_5, window_bounds = array<i64: 256, 1024>}, {transform_indices = @transform_6, window_bounds = array<i64: 256, 128>}]} {
    %eq3A = arith.constant 0 : i32
    %eq3A_0 = arith.cmpi eq, %arg0, %eq3A : i32
    %convert_element_type3A = arith.extui %eq3A_0 : i1 to i32
    %cond3A = arith.constant 0 : i32
    %cond3A_1 = arith.cmpi ne, %convert_element_type3A, %cond3A : i32
    scf.if %cond3A_1 {
      %broadcast_in_dim3A_203 = arith.constant 0.000000e+00 : f32
      %broadcast_in_dim3A_204 = vector.broadcast %broadcast_in_dim3A_203 : f32 to vector<1x8xf32>
      %swap3A_205 = arith.constant 0 : index
      %swap3A_206 = arith.constant 0 : index
      %swap3A_207 = vector.load %arg8[%swap3A_205, %swap3A_206] : memref<1x8xf32, #tpu.memory_space<vmem>>, vector<1x8xf32>
      tpu.vector_store %arg8[%swap3A_205, %swap3A_206], %broadcast_in_dim3A_204 {strides = array<i32>} : memref<1x8xf32, #tpu.memory_space<vmem>>, vector<1x8xf32>,
    } else {
    }
    %get3A = arith.constant 0 : index
    %get3A_2 = arith.constant 0 : index
    %get3A_3 = vector.load %arg1[%get3A, %get3A_2] : memref<256x1024xf32, #tpu.memory_space<vmem>>, vector<256x1024xf32>
    %convert_element_type3A_4 = arith.truncf %get3A_3 : vector<256x1024xf32> to vector<256x1024xbf16>
    %get3A_5 = arith.constant 0 : index
    %get3A_6 = arith.constant 0 : index
    %get3A_7 = vector.load %arg3[%get3A_5, %get3A_6] : memref<1024x3072xbf16, #tpu.memory_space<vmem>>, vector<1024x3072xbf16>
    %dot_general3A = arith.constant dense<0.000000e+00> : vector<256x3072xf32>
    %dot_general3A_8 = tpu.matmul %convert_element_type3A_4, %get3A_7, %dot_general3A {dimension_numbers = #tpu.dot_dimension_numbers<[1], [0], [0], [1], [0, 0, 1, 1], [], []>, transpose_lhs_hint = false} : vector<256x1024xbf16>, vector<1024x3072xbf16>, vector<256x3072xf32> -> vector<256x3072xf32>
    %slice3A = vector.extract_strided_slice %dot_general3A_8 {offsets = [0, 0], sizes = [256, 1536], strides = [1, 1]} : vector<256x3072xf32> to vector<256x1536xf32>
    %slice3A_9 = vector.extract_strided_slice %dot_general3A_8 {offsets = [0, 1536], sizes = [256, 1536], strides = [1, 1]} : vector<256x3072xf32> to vector<256x1536xf32>
    %mul3A = arith.mulf %slice3A_9, %slice3A : vector<256x1536xf32>
    %logistic3A = arith.negf %slice3A : vector<256x1536xf32>
    %logistic3A_10 = math.exp %logistic3A : vector<256x1536xf32>
    %logistic3A_11 = arith.constant 1.000000e+00 : f32
    %logistic3A_12 = vector.broadcast %logistic3A_11 : f32 to vector<256x1536xf32>
    %logistic3A_13 = arith.addf %logistic3A_12, %logistic3A_10 : vector<256x1536xf32>
    %logistic3A_14 = arith.divf %logistic3A_12, %logistic3A_13 : vector<256x1536xf32>
    %mul3A_15 = arith.mulf %mul3A, %logistic3A_14 : vector<256x1536xf32>
    %convert_element_type3A_16 = arith.truncf %mul3A_15 : vector<256x1536xf32> to vector<256x1536xbf16>
    %get3A_17 = arith.constant 0 : index
    %get3A_18 = arith.constant 0 : index
    %get3A_19 = vector.load %arg4[%get3A_17, %get3A_18] : memref<1536x1024xbf16, #tpu.memory_space<vmem>>, vector<1536x1024xbf16>
    %dot_general3A_20 = arith.constant dense<0.000000e+00> : vector<256x1024xf32>
    %dot_general3A_21 = tpu.matmul %convert_element_type3A_16, %get3A_19, %dot_general3A_20 {dimension_numbers = #tpu.dot_dimension_numbers<[1], [0], [0], [1], [0, 0, 1, 1], [], []>, transpose_lhs_hint = false} : vector<256x1536xbf16>, vector<1536x1024xbf16>, vector<256x1024xf32> -> vector<256x1024xf32>
    %get3A_22 = arith.constant 0 : index
    %get3A_23 = arith.constant 0 : index
    %get3A_24 = vector.load %arg5[%get3A_22, %get3A_23] : memref<1024x1xf32, #tpu.memory_space<vmem>>, vector<1024x1xf32>
    %reshape3A = vector.shape_cast %get3A_24 : vector<1024x1xf32> to vector<1x1024xf32>
    %mul3A_25 = vector.broadcast %reshape3A : vector<1x1024xf32> to vector<256x1024xf32>
    %mul3A_26 = arith.mulf %get3A_3, %mul3A_25 : vector<256x1024xf32>
    %reduce_sum3A = arith.constant dense<0.000000e+00> : vector<256xf32>
    %reduce_sum3A_27 = vector.multi_reduction <add>, %mul3A_26, %reduce_sum3A [1] : vector<256x1024xf32> to vector<256xf32>
    %broadcast_in_dim3A = vector.shape_cast %reduce_sum3A_27 : vector<256xf32> to vector<256x1xf32>
    %logistic3A_28 = arith.negf %broadcast_in_dim3A : vector<256x1xf32>
    %logistic3A_29 = math.exp %logistic3A_28 : vector<256x1xf32>
    %logistic3A_30 = arith.constant 1.000000e+00 : f32
    %logistic3A_31 = vector.broadcast %logistic3A_30 : f32 to vector<256x1xf32>
    %logistic3A_32 = arith.addf %logistic3A_31, %logistic3A_29 : vector<256x1xf32>
    %logistic3A_33 = arith.divf %logistic3A_31, %logistic3A_32 : vector<256x1xf32>
    %mul3A_34 = vector.broadcast %logistic3A_33 : vector<256x1xf32> to vector<256x1024xf32>
    %mul3A_35 = arith.mulf %dot_general3A_21, %mul3A_34 : vector<256x1024xf32>
    %swap3A = arith.constant 0 : index
    %swap3A_36 = arith.constant 0 : index
    %swap3A_37 = vector.load %arg6[%swap3A, %swap3A_36] : memref<256x1024xf32, #tpu.memory_space<vmem>>, vector<256x1024xf32>
    tpu.vector_store %arg6[%swap3A, %swap3A_36], %mul3A_35 {strides = array<i32>} : memref<256x1024xf32, #tpu.memory_space<vmem>>, vector<256x1024xf32>,
    %get3A_38 = arith.constant 0 : index
    %get3A_39 = arith.constant 0 : index
    %get3A_40 = vector.load %arg2[%get3A_38, %get3A_39] : memref<1024x8xbf16, #tpu.memory_space<vmem>>, vector<1024x8xbf16>
    %dot_general3A_41 = arith.constant dense<0.000000e+00> : vector<256x8xf32>
    %dot_general3A_42 = tpu.matmul %convert_element_type3A_4, %get3A_40, %dot_general3A_41 {dimension_numbers = #tpu.dot_dimension_numbers<[1], [0], [0], [1], [0, 0, 1, 1], [], []>, transpose_lhs_hint = false} : vector<256x1024xbf16>, vector<1024x8xbf16>, vector<256x8xf32> -> vector<256x8xf32>
    %iota3A = tpu.iota {dimensions = array<i32: 1>} : vector<256x8xi32>
    %reduce_max3A = arith.constant dense<0xFF800000> : vector<256xf32>
    %reduce_max3A_43 = vector.multi_reduction <maximumf>, %dot_general3A_42, %reduce_max3A [1] : vector<256x8xf32> to vector<256xf32>
    %broadcast_in_dim3A_44 = vector.shape_cast %reduce_max3A_43 : vector<256xf32> to vector<256x1xf32>
    %eq3A_45 = vector.broadcast %broadcast_in_dim3A_44 : vector<256x1xf32> to vector<256x8xf32>
    %eq3A_46 = arith.cmpf oeq, %dot_general3A_42, %eq3A_45 : vector<256x8xf32>
    %jit3A = arith.constant 8 : i32
    %broadcast_in_dim3A_47 = vector.broadcast %jit3A : i32 to vector<256x8xi32>
    %select_n3A = arith.select %eq3A_46, %iota3A, %broadcast_in_dim3A_47 : vector<256x8xi1>, vector<256x8xi32>
    %reduce_min3A = arith.constant dense<2147483647> : vector<256xi32>
    %reduce_min3A_48 = vector.multi_reduction <minsi>, %select_n3A, %reduce_min3A [1] : vector<256x8xi32> to vector<256xi32>
    %broadcast_in_dim3A_49 = vector.shape_cast %reduce_min3A_48 : vector<256xi32> to vector<256x1xi32>
    %eq3A_50 = vector.broadcast %broadcast_in_dim3A_49 : vector<256x1xi32> to vector<256x8xi32>
    %eq3A_51 = arith.cmpi eq, %iota3A, %eq3A_50 : vector<256x8xi32>
    %jit3A_52 = arith.constant 0xFF800000 : f32
    %broadcast_in_dim3A_53 = vector.broadcast %jit3A_52 : f32 to vector<256x8xf32>
    %select_n3A_54 = arith.select %eq3A_51, %broadcast_in_dim3A_53, %dot_general3A_42 : vector<256x8xi1>, vector<256x8xf32>
    %reduce_max3A_55 = arith.constant dense<0xFF800000> : vector<256xf32>
    %reduce_max3A_56 = vector.multi_reduction <maximumf>, %select_n3A_54, %reduce_max3A_55 [1] : vector<256x8xf32> to vector<256xf32>
    %broadcast_in_dim3A_57 = vector.shape_cast %reduce_max3A_56 : vector<256xf32> to vector<256x1xf32>
    %eq3A_58 = vector.broadcast %broadcast_in_dim3A_57 : vector<256x1xf32> to vector<256x8xf32>
    %eq3A_59 = arith.cmpf oeq, %select_n3A_54, %eq3A_58 : vector<256x8xf32>
    %jit3A_60 = arith.constant 8 : i32
    %broadcast_in_dim3A_61 = vector.broadcast %jit3A_60 : i32 to vector<256x8xi32>
    %select_n3A_62 = arith.select %eq3A_59, %iota3A, %broadcast_in_dim3A_61 : vector<256x8xi1>, vector<256x8xi32>
    %reduce_min3A_63 = arith.constant dense<2147483647> : vector<256xi32>
    %reduce_min3A_64 = vector.multi_reduction <minsi>, %select_n3A_62, %reduce_min3A_63 [1] : vector<256x8xi32> to vector<256xi32>
    %broadcast_in_dim3A_65 = vector.shape_cast %reduce_min3A_64 : vector<256xi32> to vector<256x1xi32>
    %sub3A = arith.subf %broadcast_in_dim3A_44, %broadcast_in_dim3A_57 : vector<256x1xf32>
    %logistic3A_66 = arith.negf %sub3A : vector<256x1xf32>
    %logistic3A_67 = math.exp %logistic3A_66 : vector<256x1xf32>
    %logistic3A_68 = arith.constant 1.000000e+00 : f32
    %logistic3A_69 = vector.broadcast %logistic3A_68 : f32 to vector<256x1xf32>
    %logistic3A_70 = arith.addf %logistic3A_69, %logistic3A_67 : vector<256x1xf32>
    %logistic3A_71 = arith.divf %logistic3A_69, %logistic3A_70 : vector<256x1xf32>
    %eq3A_72 = vector.broadcast %broadcast_in_dim3A_49 : vector<256x1xi32> to vector<256x8xi32>
    %eq3A_73 = arith.cmpi eq, %iota3A, %eq3A_72 : vector<256x8xi32>
    %convert_element_type3A_74 = arith.extui %eq3A_73 : vector<256x8xi1> to vector<256x8xi32>
    %convert_element_type3A_75 = arith.sitofp %convert_element_type3A_74 : vector<256x8xi32> to vector<256x8xf32>
    %eq3A_76 = vector.broadcast %broadcast_in_dim3A_65 : vector<256x1xi32> to vector<256x8xi32>
    %eq3A_77 = arith.cmpi eq, %iota3A, %eq3A_76 : vector<256x8xi32>
    %convert_element_type3A_78 = arith.extui %eq3A_77 : vector<256x8xi1> to vector<256x8xi32>
    %convert_element_type3A_79 = arith.sitofp %convert_element_type3A_78 : vector<256x8xi32> to vector<256x8xf32>
    %add3A = arith.addf %convert_element_type3A_75, %convert_element_type3A_79 : vector<256x8xf32>
    %iota3A_80 = tpu.iota {dimensions = array<i32: 0>} : vector<256x256xi32>
    %iota3A_81 = tpu.iota {dimensions = array<i32: 1>} : vector<256x256xi32>
    %gt3A = arith.cmpi sgt, %iota3A_80, %iota3A_81 : vector<256x256xi32>
    %convert_element_type3A_82 = arith.extui %gt3A : vector<256x256xi1> to vector<256x256xi32>
    %convert_element_type3A_83 = arith.sitofp %convert_element_type3A_82 : vector<256x256xi32> to vector<256x256xf32>
    %dot_general3A_84 = arith.constant dense<0.000000e+00> : vector<256x8xf32>
    %dot_general3A_85 = tpu.matmul %convert_element_type3A_83, %add3A, %dot_general3A_84 {dimension_numbers = #tpu.dot_dimension_numbers<[1], [0], [0], [1], [0, 0, 1, 1], [], []>, transpose_lhs_hint = false} : vector<256x256xf32>, vector<256x8xf32>, vector<256x8xf32> -> vector<256x8xf32>
    %get3A_86 = arith.constant 0 : index
    %get3A_87 = arith.constant 0 : index
    %get3A_88 = vector.load %arg8[%get3A_86, %get3A_87] : memref<1x8xf32, #tpu.memory_space<vmem>>, vector<1x8xf32>
    %add3A_89 = vector.broadcast %get3A_88 : vector<1x8xf32> to vector<256x8xf32>
    %add3A_90 = arith.addf %dot_general3A_85, %add3A_89 : vector<256x8xf32>
    %mul3A_91 = arith.mulf %add3A_90, %convert_element_type3A_75 : vector<256x8xf32>
    %reduce_sum3A_92 = arith.constant dense<0.000000e+00> : vector<256xf32>
    %reduce_sum3A_93 = vector.multi_reduction <add>, %mul3A_91, %reduce_sum3A_92 [1] : vector<256x8xf32> to vector<256xf32>
    %broadcast_in_dim3A_94 = vector.shape_cast %reduce_sum3A_93 : vector<256xf32> to vector<256x1xf32>
    %add3A_95 = arith.addf %add3A_90, %convert_element_type3A_75 : vector<256x8xf32>
    %mul3A_96 = arith.mulf %add3A_95, %convert_element_type3A_79 : vector<256x8xf32>
    %reduce_sum3A_97 = arith.constant dense<0.000000e+00> : vector<256xf32>
    %reduce_sum3A_98 = vector.multi_reduction <add>, %mul3A_96, %reduce_sum3A_97 [1] : vector<256x8xf32> to vector<256xf32>
    %broadcast_in_dim3A_99 = vector.shape_cast %reduce_sum3A_98 : vector<256xf32> to vector<256x1xf32>
    %reduce_sum3A_100 = arith.constant dense<0.000000e+00> : vector<8xf32>
    %reduce_sum3A_101 = vector.multi_reduction <add>, %add3A, %reduce_sum3A_100 [0] : vector<256x8xf32> to vector<8xf32>
    %broadcast_in_dim3A_102 = vector.shape_cast %reduce_sum3A_101 : vector<8xf32> to vector<1x8xf32>
    %add3A_103 = arith.addf %get3A_88, %broadcast_in_dim3A_102 : vector<1x8xf32>
    %swap3A_104 = arith.constant 0 : index
    %swap3A_105 = arith.constant 0 : index
    %swap3A_106 = vector.load %arg8[%swap3A_104, %swap3A_105] : memref<1x8xf32, #tpu.memory_space<vmem>>, vector<1x8xf32>
    tpu.vector_store %arg8[%swap3A_104, %swap3A_105], %add3A_103 {strides = array<i32>} : memref<1x8xf32, #tpu.memory_space<vmem>>, vector<1x8xf32>,
    %iota3A_107 = tpu.iota {dimensions = array<i32: 1>} : vector<256x128xi32>
    %iota3A_108 = tpu.iota {dimensions = array<i32: 1>} : vector<1x128xi32>
    %broadcast_in_dim3A_109 = arith.constant 0.000000e+00 : f32
    %broadcast_in_dim3A_110 = vector.broadcast %broadcast_in_dim3A_109 : f32 to vector<1x128xf32>
    %eq3A_111 = arith.constant 8 : i32
    %eq3A_112 = vector.broadcast %eq3A_111 : i32 to vector<1x128xi32>
    %eq3A_113 = arith.cmpi eq, %iota3A_108, %eq3A_112 : vector<1x128xi32>
    %slice3A_114 = vector.extract_strided_slice %add3A_103 {offsets = [0, 0], sizes = [1, 1], strides = [1, 1]} : vector<1x8xf32> to vector<1x1xf32>
    %squeeze3A = vector.extract %slice3A_114[0, 0] : f32 from vector<1x1xf32>
    %broadcast_in_dim3A_115 = vector.broadcast %squeeze3A : f32 to vector<1x128xf32>
    %select_n3A_116 = arith.select %eq3A_113, %broadcast_in_dim3A_115, %broadcast_in_dim3A_110 : vector<1x128xi1>, vector<1x128xf32>
    %eq3A_117 = arith.constant 9 : i32
    %eq3A_118 = vector.broadcast %eq3A_117 : i32 to vector<1x128xi32>
    %eq3A_119 = arith.cmpi eq, %iota3A_108, %eq3A_118 : vector<1x128xi32>
    %slice3A_120 = vector.extract_strided_slice %add3A_103 {offsets = [0, 1], sizes = [1, 1], strides = [1, 1]} : vector<1x8xf32> to vector<1x1xf32>
    %squeeze3A_121 = vector.extract %slice3A_120[0, 0] : f32 from vector<1x1xf32>
    %broadcast_in_dim3A_122 = vector.broadcast %squeeze3A_121 : f32 to vector<1x128xf32>
    %select_n3A_123 = arith.select %eq3A_119, %broadcast_in_dim3A_122, %select_n3A_116 : vector<1x128xi1>, vector<1x128xf32>
    %eq3A_124 = arith.constant 10 : i32
    %eq3A_125 = vector.broadcast %eq3A_124 : i32 to vector<1x128xi32>
    %eq3A_126 = arith.cmpi eq, %iota3A_108, %eq3A_125 : vector<1x128xi32>
    %slice3A_127 = vector.extract_strided_slice %add3A_103 {offsets = [0, 2], sizes = [1, 1], strides = [1, 1]} : vector<1x8xf32> to vector<1x1xf32>
    %squeeze3A_128 = vector.extract %slice3A_127[0, 0] : f32 from vector<1x1xf32>
    %broadcast_in_dim3A_129 = vector.broadcast %squeeze3A_128 : f32 to vector<1x128xf32>
    %select_n3A_130 = arith.select %eq3A_126, %broadcast_in_dim3A_129, %select_n3A_123 : vector<1x128xi1>, vector<1x128xf32>
    %eq3A_131 = arith.constant 11 : i32
    %eq3A_132 = vector.broadcast %eq3A_131 : i32 to vector<1x128xi32>
    %eq3A_133 = arith.cmpi eq, %iota3A_108, %eq3A_132 : vector<1x128xi32>
    %slice3A_134 = vector.extract_strided_slice %add3A_103 {offsets = [0, 3], sizes = [1, 1], strides = [1, 1]} : vector<1x8xf32> to vector<1x1xf32>
    %squeeze3A_135 = vector.extract %slice3A_134[0, 0] : f32 from vector<1x1xf32>
    %broadcast_in_dim3A_136 = vector.broadcast %squeeze3A_135 : f32 to vector<1x128xf32>
    %select_n3A_137 = arith.select %eq3A_133, %broadcast_in_dim3A_136, %select_n3A_130 : vector<1x128xi1>, vector<1x128xf32>
    %eq3A_138 = arith.constant 12 : i32
    %eq3A_139 = vector.broadcast %eq3A_138 : i32 to vector<1x128xi32>
    %eq3A_140 = arith.cmpi eq, %iota3A_108, %eq3A_139 : vector<1x128xi32>
    %slice3A_141 = vector.extract_strided_slice %add3A_103 {offsets = [0, 4], sizes = [1, 1], strides = [1, 1]} : vector<1x8xf32> to vector<1x1xf32>
    %squeeze3A_142 = vector.extract %slice3A_141[0, 0] : f32 from vector<1x1xf32>
    %broadcast_in_dim3A_143 = vector.broadcast %squeeze3A_142 : f32 to vector<1x128xf32>
    %select_n3A_144 = arith.select %eq3A_140, %broadcast_in_dim3A_143, %select_n3A_137 : vector<1x128xi1>, vector<1x128xf32>
    %eq3A_145 = arith.constant 13 : i32
    %eq3A_146 = vector.broadcast %eq3A_145 : i32 to vector<1x128xi32>
    %eq3A_147 = arith.cmpi eq, %iota3A_108, %eq3A_146 : vector<1x128xi32>
    %slice3A_148 = vector.extract_strided_slice %add3A_103 {offsets = [0, 5], sizes = [1, 1], strides = [1, 1]} : vector<1x8xf32> to vector<1x1xf32>
    %squeeze3A_149 = vector.extract %slice3A_148[0, 0] : f32 from vector<1x1xf32>
    %broadcast_in_dim3A_150 = vector.broadcast %squeeze3A_149 : f32 to vector<1x128xf32>
    %select_n3A_151 = arith.select %eq3A_147, %broadcast_in_dim3A_150, %select_n3A_144 : vector<1x128xi1>, vector<1x128xf32>
    %eq3A_152 = arith.constant 14 : i32
    %eq3A_153 = vector.broadcast %eq3A_152 : i32 to vector<1x128xi32>
    %eq3A_154 = arith.cmpi eq, %iota3A_108, %eq3A_153 : vector<1x128xi32>
    %slice3A_155 = vector.extract_strided_slice %add3A_103 {offsets = [0, 6], sizes = [1, 1], strides = [1, 1]} : vector<1x8xf32> to vector<1x1xf32>
    %squeeze3A_156 = vector.extract %slice3A_155[0, 0] : f32 from vector<1x1xf32>
    %broadcast_in_dim3A_157 = vector.broadcast %squeeze3A_156 : f32 to vector<1x128xf32>
    %select_n3A_158 = arith.select %eq3A_154, %broadcast_in_dim3A_157, %select_n3A_151 : vector<1x128xi1>, vector<1x128xf32>
    %eq3A_159 = arith.constant 15 : i32
    %eq3A_160 = vector.broadcast %eq3A_159 : i32 to vector<1x128xi32>
    %eq3A_161 = arith.cmpi eq, %iota3A_108, %eq3A_160 : vector<1x128xi32>
    %slice3A_162 = vector.extract_strided_slice %add3A_103 {offsets = [0, 7], sizes = [1, 1], strides = [1, 1]} : vector<1x8xf32> to vector<1x1xf32>
    %squeeze3A_163 = vector.extract %slice3A_162[0, 0] : f32 from vector<1x1xf32>
    %broadcast_in_dim3A_164 = vector.broadcast %squeeze3A_163 : f32 to vector<1x128xf32>
    %select_n3A_165 = arith.select %eq3A_161, %broadcast_in_dim3A_164, %select_n3A_158 : vector<1x128xi1>, vector<1x128xf32>
    %eq3A_166 = arith.constant 0 : i32
    %eq3A_167 = vector.broadcast %eq3A_166 : i32 to vector<256x128xi32>
    %eq3A_168 = arith.cmpi eq, %iota3A_107, %eq3A_167 : vector<256x128xi32>
    %convert_element_type3A_169 = arith.sitofp %broadcast_in_dim3A_49 : vector<256x1xi32> to vector<256x1xf32>
    %eq3A_170 = arith.constant 1 : i32
    %eq3A_171 = vector.broadcast %eq3A_170 : i32 to vector<256x128xi32>
    %eq3A_172 = arith.cmpi eq, %iota3A_107, %eq3A_171 : vector<256x128xi32>
    %convert_element_type3A_173 = arith.sitofp %broadcast_in_dim3A_65 : vector<256x1xi32> to vector<256x1xf32>
    %eq3A_174 = arith.constant 2 : i32
    %eq3A_175 = vector.broadcast %eq3A_174 : i32 to vector<256x128xi32>
    %eq3A_176 = arith.cmpi eq, %iota3A_107, %eq3A_175 : vector<256x128xi32>
    %eq3A_177 = arith.constant 3 : i32
    %eq3A_178 = vector.broadcast %eq3A_177 : i32 to vector<256x128xi32>
    %eq3A_179 = arith.cmpi eq, %iota3A_107, %eq3A_178 : vector<256x128xi32>
    %eq3A_180 = arith.constant 4 : i32
    %eq3A_181 = vector.broadcast %eq3A_180 : i32 to vector<256x128xi32>
    %eq3A_182 = arith.cmpi eq, %iota3A_107, %eq3A_181 : vector<256x128xi32>
    %broadcast_in_dim3A_183 = vector.shape_cast %broadcast_in_dim3A_99 : vector<256x1xf32> to vector<256x1xf32>
    %broadcast_in_dim3A_184 = vector.broadcast %broadcast_in_dim3A_183 : vector<256x1xf32> to vector<256x128xf32>
    %broadcast_in_dim3A_185 = vector.shape_cast %select_n3A_165 : vector<1x128xf32> to vector<1x128xf32>
    %broadcast_in_dim3A_186 = vector.broadcast %broadcast_in_dim3A_185 : vector<1x128xf32> to vector<256x128xf32>
    %select_n3A_187 = arith.select %eq3A_182, %broadcast_in_dim3A_184, %broadcast_in_dim3A_186 : vector<256x128xi1>, vector<256x128xf32>
    %broadcast_in_dim3A_188 = vector.shape_cast %broadcast_in_dim3A_94 : vector<256x1xf32> to vector<256x1xf32>
    %broadcast_in_dim3A_189 = vector.broadcast %broadcast_in_dim3A_188 : vector<256x1xf32> to vector<256x128xf32>
    %select_n3A_190 = arith.select %eq3A_179, %broadcast_in_dim3A_189, %select_n3A_187 : vector<256x128xi1>, vector<256x128xf32>
    %broadcast_in_dim3A_191 = vector.shape_cast %logistic3A_71 : vector<256x1xf32> to vector<256x1xf32>
    %broadcast_in_dim3A_192 = vector.broadcast %broadcast_in_dim3A_191 : vector<256x1xf32> to vector<256x128xf32>
    %select_n3A_193 = arith.select %eq3A_176, %broadcast_in_dim3A_192, %select_n3A_190 : vector<256x128xi1>, vector<256x128xf32>
    %broadcast_in_dim3A_194 = vector.shape_cast %convert_element_type3A_173 : vector<256x1xf32> to vector<256x1xf32>
    %broadcast_in_dim3A_195 = vector.broadcast %broadcast_in_dim3A_194 : vector<256x1xf32> to vector<256x128xf32>
    %select_n3A_196 = arith.select %eq3A_172, %broadcast_in_dim3A_195, %select_n3A_193 : vector<256x128xi1>, vector<256x128xf32>
    %broadcast_in_dim3A_197 = vector.shape_cast %convert_element_type3A_169 : vector<256x1xf32> to vector<256x1xf32>
    %broadcast_in_dim3A_198 = vector.broadcast %broadcast_in_dim3A_197 : vector<256x1xf32> to vector<256x128xf32>
    %select_n3A_199 = arith.select %eq3A_168, %broadcast_in_dim3A_198, %select_n3A_196 : vector<256x128xi1>, vector<256x128xf32>
    %swap3A_200 = arith.constant 0 : index
    %swap3A_201 = arith.constant 0 : index
    %swap3A_202 = vector.load %arg7[%swap3A_200, %swap3A_201] : memref<256x128xf32, #tpu.memory_space<vmem>>, vector<256x128xf32>
    tpu.vector_store %arg7[%swap3A_200, %swap3A_201], %select_n3A_199 {strides = array<i32>} : memref<256x128xf32, #tpu.memory_space<vmem>>, vector<256x128xf32>,
    return
  }
  func.func @transform_0(%arg0: i32) -> (i32, i32) {
    %c0_i32 = arith.constant 0 : i32
    %c0_i32_0 = arith.constant 0 : i32
    return %arg0, %c0_i32 : i32, i32
  }
  func.func @transform_1(%arg0: i32) -> (i32, i32) {
    %c0_i32 = arith.constant 0 : i32
    %c0_i32_0 = arith.constant 0 : i32
    %c0_i32_1 = arith.constant 0 : i32
    return %c0_i32, %c0_i32_0 : i32, i32
  }
  func.func @transform_2(%arg0: i32) -> (i32, i32) {
    %c0_i32 = arith.constant 0 : i32
    %c0_i32_0 = arith.constant 0 : i32
    %c0_i32_1 = arith.constant 0 : i32
    return %c0_i32, %c0_i32_0 : i32, i32
  }
  func.func @transform_3(%arg0: i32) -> (i32, i32) {
    %c0_i32 = arith.constant 0 : i32
    %c0_i32_0 = arith.constant 0 : i32
    %c0_i32_1 = arith.constant 0 : i32
    return %c0_i32, %c0_i32_0 : i32, i32
  }
  func.func @transform_4(%arg0: i32) -> (i32, i32) {
    %c0_i32 = arith.constant 0 : i32
    %c0_i32_0 = arith.constant 0 : i32
    %c0_i32_1 = arith.constant 0 : i32
    return %c0_i32, %c0_i32_0 : i32, i32
  }
  func.func @transform_5(%arg0: i32) -> (i32, i32) {
    %c0_i32 = arith.constant 0 : i32
    %c0_i32_0 = arith.constant 0 : i32
    return %arg0, %c0_i32 : i32, i32
  }
  func.func @transform_6(%arg0: i32) -> (i32, i32) {
    %c0_i32 = arith.constant 0 : i32
    %c0_i32_0 = arith.constant 0 : i32
    return %arg0, %c0_i32 : i32, i32
  }
}

module attributes {stable_mosaic.version = 14 : i64} {
  func.func @_grouped_mlp_kernel(%arg0: i32, %arg1: memref<9xi32, #tpu.memory_space<smem>>, %arg2: memref<4096x1024xbf16, #tpu.memory_space<vmem>>, %arg3: memref<4096x1xf32, #tpu.memory_space<vmem>>, %arg4: memref<8x1024x1536xbf16, #tpu.memory_space<hbm>>, %arg5: memref<8x768x1024xbf16, #tpu.memory_space<hbm>>, %arg6: memref<4096x1024xbf16, #tpu.memory_space<vmem>>, %arg7: memref<2x1024x1536xbf16, #tpu.memory_space<vmem>>, %arg8: memref<2x768x1024xbf16, #tpu.memory_space<vmem>>, %arg9: memref<2x!tpu.dma_semaphore, #tpu.memory_space<semaphore_mem>>, %arg10: memref<2x!tpu.dma_semaphore, #tpu.memory_space<semaphore_mem>>) attributes {dimension_semantics = [#tpu.dimension_semantics<arbitrary>], iteration_bounds = array<i64: 1>, scalar_prefetch = 1 : i64, scratch_operands = 4 : i64, tpu.core_type = #tpu.core_type<tc>, window_params = [{pipeline_mode = #tpu.pipeline_mode<synchronous>, transform_indices = @transform_0, window_bounds = array<i64: 4096, 1024>}, {pipeline_mode = #tpu.pipeline_mode<synchronous>, transform_indices = @transform_1, window_bounds = array<i64: 4096, 1>}, {}, {}, {pipeline_mode = #tpu.pipeline_mode<synchronous>, transform_indices = @transform_4, window_bounds = array<i64: 4096, 1024>}]} {
    %dma_start3A = arith.constant 0 : i32
    %dma_start3A_0 = arith.constant 0 : i32
    %dma_start3A_1 = arith.constant 0 : i32
    %dma_start3A_2 = tpu.memref_slice %arg9[%dma_start3A_1] : memref<2x!tpu.dma_semaphore, #tpu.memory_space<semaphore_mem>> -> memref<1x!tpu.dma_semaphore, #tpu.memory_space<semaphore_mem>>
    %dma_start3A_3 = tpu.memref_squeeze %dma_start3A_2 : memref<1x!tpu.dma_semaphore, #tpu.memory_space<semaphore_mem>> -> memref<!tpu.dma_semaphore, #tpu.memory_space<semaphore_mem>>
    %dma_start3A_4 = arith.constant 0 : i32
    %dma_start3A_5 = arith.constant 0 : i32
    %dma_start3A_6 = tpu.memref_slice %arg7[%dma_start3A_0, %dma_start3A_4, %dma_start3A_5] : memref<2x1024x1536xbf16, #tpu.memory_space<vmem>> -> memref<1x1024x1536xbf16, #tpu.memory_space<vmem>>
    %dma_start3A_7 = tpu.memref_squeeze %dma_start3A_6 : memref<1x1024x1536xbf16, #tpu.memory_space<vmem>> -> memref<1024x1536xbf16, #tpu.memory_space<vmem>>
    %dma_start3A_8 = arith.constant 0 : i32
    %dma_start3A_9 = arith.constant 0 : i32
    %dma_start3A_10 = tpu.memref_slice %arg4[%dma_start3A, %dma_start3A_8, %dma_start3A_9] : memref<8x1024x1536xbf16, #tpu.memory_space<hbm>> -> memref<1x1024x1536xbf16, #tpu.memory_space<hbm>>
    %dma_start3A_11 = tpu.memref_squeeze %dma_start3A_10 : memref<1x1024x1536xbf16, #tpu.memory_space<hbm>> -> memref<1024x1536xbf16, #tpu.memory_space<hbm>>
    tpu.enqueue_dma source(%dma_start3A_11 : memref<1024x1536xbf16, #tpu.memory_space<hbm>>) target(%dma_start3A_7 : memref<1024x1536xbf16, #tpu.memory_space<vmem>>) target_semaphore(%dma_start3A_3 : memref<!tpu.dma_semaphore, #tpu.memory_space<semaphore_mem>>)
    %dma_start3A_12 = arith.constant 0 : i32
    %dma_start3A_13 = arith.constant 0 : i32
    %dma_start3A_14 = arith.constant 0 : i32
    %dma_start3A_15 = tpu.memref_slice %arg10[%dma_start3A_14] : memref<2x!tpu.dma_semaphore, #tpu.memory_space<semaphore_mem>> -> memref<1x!tpu.dma_semaphore, #tpu.memory_space<semaphore_mem>>
    %dma_start3A_16 = tpu.memref_squeeze %dma_start3A_15 : memref<1x!tpu.dma_semaphore, #tpu.memory_space<semaphore_mem>> -> memref<!tpu.dma_semaphore, #tpu.memory_space<semaphore_mem>>
    %dma_start3A_17 = arith.constant 0 : i32
    %dma_start3A_18 = arith.constant 0 : i32
    %dma_start3A_19 = tpu.memref_slice %arg8[%dma_start3A_13, %dma_start3A_17, %dma_start3A_18] : memref<2x768x1024xbf16, #tpu.memory_space<vmem>> -> memref<1x768x1024xbf16, #tpu.memory_space<vmem>>
    %dma_start3A_20 = tpu.memref_squeeze %dma_start3A_19 : memref<1x768x1024xbf16, #tpu.memory_space<vmem>> -> memref<768x1024xbf16, #tpu.memory_space<vmem>>
    %dma_start3A_21 = arith.constant 0 : i32
    %dma_start3A_22 = arith.constant 0 : i32
    %dma_start3A_23 = tpu.memref_slice %arg5[%dma_start3A_12, %dma_start3A_21, %dma_start3A_22] : memref<8x768x1024xbf16, #tpu.memory_space<hbm>> -> memref<1x768x1024xbf16, #tpu.memory_space<hbm>>
    %dma_start3A_24 = tpu.memref_squeeze %dma_start3A_23 : memref<1x768x1024xbf16, #tpu.memory_space<hbm>> -> memref<768x1024xbf16, #tpu.memory_space<hbm>>
    tpu.enqueue_dma source(%dma_start3A_24 : memref<768x1024xbf16, #tpu.memory_space<hbm>>) target(%dma_start3A_20 : memref<768x1024xbf16, #tpu.memory_space<vmem>>) target_semaphore(%dma_start3A_16 : memref<!tpu.dma_semaphore, #tpu.memory_space<semaphore_mem>>)
    %scan3A = arith.constant 0 : i32
    %scan3A_25 = arith.constant 8 : i32
    %scan3A_26 = arith.addi %scan3A, %scan3A_25 : i32
    %scan3A_27 = arith.constant 1 : i32
    scf.for %scan3A_29 = %scan3A to %scan3A_26 step %scan3A_27  : i32 {
      %rem3A = arith.constant 2 : i32
      %rem3A_30 = arith.remsi %scan3A_29, %rem3A : i32
      %add3A = arith.constant 1 : i32
      %add3A_31 = arith.addi %scan3A_29, %add3A : i32
      %lt3A = arith.constant 8 : i32
      %lt3A_32 = arith.cmpi slt, %add3A_31, %lt3A : i32
      %convert_element_type3A = arith.extui %lt3A_32 : i1 to i32
      %cond3A = arith.constant 0 : i32
      %cond3A_33 = arith.cmpi ne, %convert_element_type3A, %cond3A : i32
      scf.if %cond3A_33 {
        %add3A_99 = arith.constant 1 : i32
        %add3A_100 = arith.addi %scan3A_29, %add3A_99 : i32
        %sub3A_101 = arith.constant 1 : i32
        %sub3A_102 = arith.subi %sub3A_101, %rem3A_30 : i32
        %dma_start3A_103 = tpu.memref_slice %arg9[%sub3A_102] : memref<2x!tpu.dma_semaphore, #tpu.memory_space<semaphore_mem>> -> memref<1x!tpu.dma_semaphore, #tpu.memory_space<semaphore_mem>>
        %dma_start3A_104 = tpu.memref_squeeze %dma_start3A_103 : memref<1x!tpu.dma_semaphore, #tpu.memory_space<semaphore_mem>> -> memref<!tpu.dma_semaphore, #tpu.memory_space<semaphore_mem>>
        %dma_start3A_105 = arith.constant 0 : i32
        %dma_start3A_106 = arith.constant 0 : i32
        %dma_start3A_107 = tpu.memref_slice %arg7[%sub3A_102, %dma_start3A_105, %dma_start3A_106] : memref<2x1024x1536xbf16, #tpu.memory_space<vmem>> -> memref<1x1024x1536xbf16, #tpu.memory_space<vmem>>
        %dma_start3A_108 = tpu.memref_squeeze %dma_start3A_107 : memref<1x1024x1536xbf16, #tpu.memory_space<vmem>> -> memref<1024x1536xbf16, #tpu.memory_space<vmem>>
        %dma_start3A_109 = arith.constant 0 : i32
        %dma_start3A_110 = arith.constant 0 : i32
        %dma_start3A_111 = tpu.memref_slice %arg4[%add3A_100, %dma_start3A_109, %dma_start3A_110] : memref<8x1024x1536xbf16, #tpu.memory_space<hbm>> -> memref<1x1024x1536xbf16, #tpu.memory_space<hbm>>
        %dma_start3A_112 = tpu.memref_squeeze %dma_start3A_111 : memref<1x1024x1536xbf16, #tpu.memory_space<hbm>> -> memref<1024x1536xbf16, #tpu.memory_space<hbm>>
        tpu.enqueue_dma source(%dma_start3A_112 : memref<1024x1536xbf16, #tpu.memory_space<hbm>>) target(%dma_start3A_108 : memref<1024x1536xbf16, #tpu.memory_space<vmem>>) target_semaphore(%dma_start3A_104 : memref<!tpu.dma_semaphore, #tpu.memory_space<semaphore_mem>>)
        %dma_start3A_113 = tpu.memref_slice %arg10[%sub3A_102] : memref<2x!tpu.dma_semaphore, #tpu.memory_space<semaphore_mem>> -> memref<1x!tpu.dma_semaphore, #tpu.memory_space<semaphore_mem>>
        %dma_start3A_114 = tpu.memref_squeeze %dma_start3A_113 : memref<1x!tpu.dma_semaphore, #tpu.memory_space<semaphore_mem>> -> memref<!tpu.dma_semaphore, #tpu.memory_space<semaphore_mem>>
        %dma_start3A_115 = arith.constant 0 : i32
        %dma_start3A_116 = arith.constant 0 : i32
        %dma_start3A_117 = tpu.memref_slice %arg8[%sub3A_102, %dma_start3A_115, %dma_start3A_116] : memref<2x768x1024xbf16, #tpu.memory_space<vmem>> -> memref<1x768x1024xbf16, #tpu.memory_space<vmem>>
        %dma_start3A_118 = tpu.memref_squeeze %dma_start3A_117 : memref<1x768x1024xbf16, #tpu.memory_space<vmem>> -> memref<768x1024xbf16, #tpu.memory_space<vmem>>
        %dma_start3A_119 = arith.constant 0 : i32
        %dma_start3A_120 = arith.constant 0 : i32
        %dma_start3A_121 = tpu.memref_slice %arg5[%add3A_100, %dma_start3A_119, %dma_start3A_120] : memref<8x768x1024xbf16, #tpu.memory_space<hbm>> -> memref<1x768x1024xbf16, #tpu.memory_space<hbm>>
        %dma_start3A_122 = tpu.memref_squeeze %dma_start3A_121 : memref<1x768x1024xbf16, #tpu.memory_space<hbm>> -> memref<768x1024xbf16, #tpu.memory_space<hbm>>
        tpu.enqueue_dma source(%dma_start3A_122 : memref<768x1024xbf16, #tpu.memory_space<hbm>>) target(%dma_start3A_118 : memref<768x1024xbf16, #tpu.memory_space<vmem>>) target_semaphore(%dma_start3A_114 : memref<!tpu.dma_semaphore, #tpu.memory_space<semaphore_mem>>)
      } else {
      }
      %dma_wait3A = tpu.memref_slice %arg9[%rem3A_30] : memref<2x!tpu.dma_semaphore, #tpu.memory_space<semaphore_mem>> -> memref<1x!tpu.dma_semaphore, #tpu.memory_space<semaphore_mem>>
      %dma_wait3A_34 = tpu.memref_squeeze %dma_wait3A : memref<1x!tpu.dma_semaphore, #tpu.memory_space<semaphore_mem>> -> memref<!tpu.dma_semaphore, #tpu.memory_space<semaphore_mem>>
      %dma_wait3A_35 = arith.constant 0 : i32
      %dma_wait3A_36 = arith.constant 0 : i32
      %dma_wait3A_37 = tpu.memref_slice %arg7[%rem3A_30, %dma_wait3A_35, %dma_wait3A_36] : memref<2x1024x1536xbf16, #tpu.memory_space<vmem>> -> memref<1x1024x1536xbf16, #tpu.memory_space<vmem>>
      %dma_wait3A_38 = tpu.memref_squeeze %dma_wait3A_37 : memref<1x1024x1536xbf16, #tpu.memory_space<vmem>> -> memref<1024x1536xbf16, #tpu.memory_space<vmem>>
      %dma_wait3A_39 = arith.constant 0 : i32
      %dma_wait3A_40 = arith.constant 0 : i32
      %dma_wait3A_41 = tpu.memref_slice %arg4[%scan3A_29, %dma_wait3A_39, %dma_wait3A_40] : memref<8x1024x1536xbf16, #tpu.memory_space<hbm>> -> memref<1x1024x1536xbf16, #tpu.memory_space<hbm>>
      %dma_wait3A_42 = tpu.memref_squeeze %dma_wait3A_41 : memref<1x1024x1536xbf16, #tpu.memory_space<hbm>> -> memref<1024x1536xbf16, #tpu.memory_space<hbm>>
      tpu.wait_dma2 semaphore(%dma_wait3A_34 : memref<!tpu.dma_semaphore, #tpu.memory_space<semaphore_mem>>) src(%dma_wait3A_42 : memref<1024x1536xbf16, #tpu.memory_space<hbm>>) dst(%dma_wait3A_38 : memref<1024x1536xbf16, #tpu.memory_space<vmem>>)
      %dma_wait3A_43 = tpu.memref_slice %arg10[%rem3A_30] : memref<2x!tpu.dma_semaphore, #tpu.memory_space<semaphore_mem>> -> memref<1x!tpu.dma_semaphore, #tpu.memory_space<semaphore_mem>>
      %dma_wait3A_44 = tpu.memref_squeeze %dma_wait3A_43 : memref<1x!tpu.dma_semaphore, #tpu.memory_space<semaphore_mem>> -> memref<!tpu.dma_semaphore, #tpu.memory_space<semaphore_mem>>
      %dma_wait3A_45 = arith.constant 0 : i32
      %dma_wait3A_46 = arith.constant 0 : i32
      %dma_wait3A_47 = tpu.memref_slice %arg8[%rem3A_30, %dma_wait3A_45, %dma_wait3A_46] : memref<2x768x1024xbf16, #tpu.memory_space<vmem>> -> memref<1x768x1024xbf16, #tpu.memory_space<vmem>>
      %dma_wait3A_48 = tpu.memref_squeeze %dma_wait3A_47 : memref<1x768x1024xbf16, #tpu.memory_space<vmem>> -> memref<768x1024xbf16, #tpu.memory_space<vmem>>
      %dma_wait3A_49 = arith.constant 0 : i32
      %dma_wait3A_50 = arith.constant 0 : i32
      %dma_wait3A_51 = tpu.memref_slice %arg5[%scan3A_29, %dma_wait3A_49, %dma_wait3A_50] : memref<8x768x1024xbf16, #tpu.memory_space<hbm>> -> memref<1x768x1024xbf16, #tpu.memory_space<hbm>>
      %dma_wait3A_52 = tpu.memref_squeeze %dma_wait3A_51 : memref<1x768x1024xbf16, #tpu.memory_space<hbm>> -> memref<768x1024xbf16, #tpu.memory_space<hbm>>
      tpu.wait_dma2 semaphore(%dma_wait3A_44 : memref<!tpu.dma_semaphore, #tpu.memory_space<semaphore_mem>>) src(%dma_wait3A_52 : memref<768x1024xbf16, #tpu.memory_space<hbm>>) dst(%dma_wait3A_48 : memref<768x1024xbf16, #tpu.memory_space<vmem>>)
      %get3A = arith.index_cast %rem3A_30 : i32 to index
      %get3A_53 = arith.constant 0 : index
      %get3A_54 = arith.constant 0 : index
      %get3A_55 = vector.load %arg7[%get3A, %get3A_53, %get3A_54] : memref<2x1024x1536xbf16, #tpu.memory_space<vmem>>, vector<1x1024x1536xbf16>
      %get3A_56 = vector.shape_cast %get3A_55 : vector<1x1024x1536xbf16> to vector<1024x1536xbf16>
      %get3A_57 = arith.index_cast %rem3A_30 : i32 to index
      %get3A_58 = arith.constant 0 : index
      %get3A_59 = arith.constant 0 : index
      %get3A_60 = vector.load %arg8[%get3A_57, %get3A_58, %get3A_59] : memref<2x768x1024xbf16, #tpu.memory_space<vmem>>, vector<1x768x1024xbf16>
      %get3A_61 = vector.shape_cast %get3A_60 : vector<1x768x1024xbf16> to vector<768x1024xbf16>
      %get3A_62 = arith.index_cast %scan3A_29 : i32 to index
      %get3A_63 = memref.load %arg1[%get3A_62] : memref<9xi32, #tpu.memory_space<smem>>
      %add3A_64 = arith.constant 1 : i32
      %add3A_65 = arith.addi %scan3A_29, %add3A_64 : i32
      %get3A_66 = arith.index_cast %add3A_65 : i32 to index
      %get3A_67 = memref.load %arg1[%get3A_66] : memref<9xi32, #tpu.memory_space<smem>>
      %jit3A = arith.constant 128 : i32
      %div3A = arith.divsi %get3A_63, %jit3A : i32
      %sign3A = arith.constant 0 : i32
      %sign3A_68 = arith.cmpi sgt, %get3A_63, %sign3A : i32
      %sign3A_69 = arith.extui %sign3A_68 : i1 to i32
      %sign3A_70 = arith.constant 0 : i32
      %sign3A_71 = arith.cmpi slt, %get3A_63, %sign3A_70 : i32
      %sign3A_72 = arith.extui %sign3A_71 : i1 to i32
      %sign3A_73 = arith.subi %sign3A_69, %sign3A_72 : i32
      %sign3A_74 = arith.constant 0 : i32
      %sign3A_75 = arith.cmpi sgt, %jit3A, %sign3A_74 : i32
      %sign3A_76 = arith.extui %sign3A_75 : i1 to i32
      %sign3A_77 = arith.constant 0 : i32
      %sign3A_78 = arith.cmpi slt, %jit3A, %sign3A_77 : i32
      %sign3A_79 = arith.extui %sign3A_78 : i1 to i32
      %sign3A_80 = arith.subi %sign3A_76, %sign3A_79 : i32
      %ne3A = arith.cmpi ne, %sign3A_73, %sign3A_80 : i32
      %rem3A_81 = arith.remsi %get3A_63, %jit3A : i32
      %ne3A_82 = arith.constant 0 : i32
      %ne3A_83 = arith.cmpi ne, %rem3A_81, %ne3A_82 : i32
      %and3A = arith.andi %ne3A, %ne3A_83 : i1
      %sub3A = arith.constant 1 : i32
      %sub3A_84 = arith.subi %div3A, %sub3A : i32
      %select_n3A = arith.select %and3A, %sub3A_84, %div3A : i32
      %add3A_85 = arith.constant 127 : i32
      %add3A_86 = arith.addi %get3A_67, %add3A_85 : i32
      %div3A_87 = arith.constant 128 : i32
      %div3A_88 = arith.divsi %add3A_86, %div3A_87 : i32
      %while3A = arith.constant 0 : i32
      %while3A_89 = arith.subi %div3A_88, %select_n3A : i32
      %while3A_90 = arith.addi %select_n3A, %while3A_89 : i32
      %while3A_91 = arith.constant 1 : i32
      %while3A_92 = arith.divsi %while3A_89, %while3A_91 : i32
      %while3A_93 = arith.muli %while3A_92, %while3A_91 : i32
      %while3A_94 = arith.addi %select_n3A, %while3A_93 : i32
      %while3A_95 = arith.constant 1 : i32
      %while3A_96 = scf.for %while3A_99 = %select_n3A to %while3A_94 step %while3A_95 iter_args(%while3A_100 = %while3A) -> (i32)  : i32 {
        %mul3A = arith.constant 128 : i32
        %mul3A_101 = arith.muli %while3A_99, %mul3A : i32
        %get3A_102 = arith.index_cast %mul3A_101 : i32 to index
        %get3A_103 = arith.constant 0 : index
        %get3A_104 = vector.load %arg2[%get3A_102, %get3A_103] : memref<4096x1024xbf16, #tpu.memory_space<vmem>>, vector<128x1024xbf16>
        %dot_general3A = arith.constant dense<0.000000e+00> : vector<128x1536xf32>
        %dot_general3A_105 = tpu.matmul %get3A_104, %get3A_56, %dot_general3A {dimension_numbers = #tpu.dot_dimension_numbers<[1], [0], [0], [1], [0, 0, 1, 1], [], []>, transpose_lhs_hint = false} : vector<128x1024xbf16>, vector<1024x1536xbf16>, vector<128x1536xf32> -> vector<128x1536xf32>
        %slice3A = vector.extract_strided_slice %dot_general3A_105 {offsets = [0, 0], sizes = [128, 768], strides = [1, 1]} : vector<128x1536xf32> to vector<128x768xf32>
        %slice3A_106 = vector.extract_strided_slice %dot_general3A_105 {offsets = [0, 768], sizes = [128, 768], strides = [1, 1]} : vector<128x1536xf32> to vector<128x768xf32>
        %mul3A_107 = arith.mulf %slice3A_106, %slice3A : vector<128x768xf32>
        %logistic3A = arith.negf %slice3A : vector<128x768xf32>
        %logistic3A_108 = math.exp %logistic3A : vector<128x768xf32>
        %logistic3A_109 = arith.constant 1.000000e+00 : f32
        %logistic3A_110 = vector.broadcast %logistic3A_109 : f32 to vector<128x768xf32>
        %logistic3A_111 = arith.addf %logistic3A_110, %logistic3A_108 : vector<128x768xf32>
        %logistic3A_112 = arith.divf %logistic3A_110, %logistic3A_111 : vector<128x768xf32>
        %mul3A_113 = arith.mulf %mul3A_107, %logistic3A_112 : vector<128x768xf32>
        %convert_element_type3A_114 = arith.truncf %mul3A_113 : vector<128x768xf32> to vector<128x768xbf16>
        %dot_general3A_115 = arith.constant dense<0.000000e+00> : vector<128x1024xf32>
        %dot_general3A_116 = tpu.matmul %convert_element_type3A_114, %get3A_61, %dot_general3A_115 {dimension_numbers = #tpu.dot_dimension_numbers<[1], [0], [0], [1], [0, 0, 1, 1], [], []>, transpose_lhs_hint = false} : vector<128x768xbf16>, vector<768x1024xbf16>, vector<128x1024xf32> -> vector<128x1024xf32>
        %get3A_117 = arith.index_cast %mul3A_101 : i32 to index
        %get3A_118 = arith.constant 0 : index
        %get3A_119 = vector.load %arg3[%get3A_117, %get3A_118] : memref<4096x1xf32, #tpu.memory_space<vmem>>, vector<128x1xf32>
        %mul3A_120 = vector.broadcast %get3A_119 : vector<128x1xf32> to vector<128x1024xf32>
        %mul3A_121 = arith.mulf %dot_general3A_116, %mul3A_120 : vector<128x1024xf32>
        %iota3A = tpu.iota {dimensions = array<i32: 0>} : vector<128x1xi32>
        %add3A_122 = vector.broadcast %mul3A_101 : i32 to vector<128x1xi32>
        %add3A_123 = arith.addi %add3A_122, %iota3A : vector<128x1xi32>
        %ge3A = vector.broadcast %get3A_63 : i32 to vector<128x1xi32>
        %ge3A_124 = arith.cmpi sge, %add3A_123, %ge3A : vector<128x1xi32>
        %lt3A_125 = vector.broadcast %get3A_67 : i32 to vector<128x1xi32>
        %lt3A_126 = arith.cmpi slt, %add3A_123, %lt3A_125 : vector<128x1xi32>
        %and3A_127 = arith.andi %ge3A_124, %lt3A_126 : vector<128x1xi1>
        %get3A_128 = arith.index_cast %mul3A_101 : i32 to index
        %get3A_129 = arith.constant 0 : index
        %get3A_130 = vector.load %arg6[%get3A_128, %get3A_129] : memref<4096x1024xbf16, #tpu.memory_space<vmem>>, vector<128x1024xbf16>
        %convert_element_type3A_131 = arith.truncf %mul3A_121 : vector<128x1024xf32> to vector<128x1024xbf16>
        %broadcast_in_dim3A = vector.shape_cast %and3A_127 : vector<128x1xi1> to vector<128x1xi1>
        %broadcast_in_dim3A_132 = vector.broadcast %broadcast_in_dim3A : vector<128x1xi1> to vector<128x1024xi1>
        %select_n3A_133 = arith.select %broadcast_in_dim3A_132, %convert_element_type3A_131, %get3A_130 : vector<128x1024xi1>, vector<128x1024xbf16>
        %swap3A = arith.index_cast %mul3A_101 : i32 to index
        %swap3A_134 = arith.constant 0 : index
        %swap3A_135 = vector.load %arg6[%swap3A, %swap3A_134] : memref<4096x1024xbf16, #tpu.memory_space<vmem>>, vector<128x1024xbf16>
        tpu.vector_store %arg6[%swap3A, %swap3A_134], %select_n3A_133 {strides = array<i32>} : memref<4096x1024xbf16, #tpu.memory_space<vmem>>, vector<128x1024xbf16>,
        %while3A_136 = arith.constant 0 : i32
        scf.yield %while3A_136 : i32
      }
      %while3A_97 = arith.constant 1 : i32
      %while3A_98 = scf.for %while3A_99 = %while3A_94 to %while3A_90 step %while3A_97 iter_args(%while3A_100 = %while3A_96) -> (i32)  : i32 {
        %mul3A = arith.constant 128 : i32
        %mul3A_101 = arith.muli %while3A_99, %mul3A : i32
        %get3A_102 = arith.index_cast %mul3A_101 : i32 to index
        %get3A_103 = arith.constant 0 : index
        %get3A_104 = vector.load %arg2[%get3A_102, %get3A_103] : memref<4096x1024xbf16, #tpu.memory_space<vmem>>, vector<128x1024xbf16>
        %dot_general3A = arith.constant dense<0.000000e+00> : vector<128x1536xf32>
        %dot_general3A_105 = tpu.matmul %get3A_104, %get3A_56, %dot_general3A {dimension_numbers = #tpu.dot_dimension_numbers<[1], [0], [0], [1], [0, 0, 1, 1], [], []>, transpose_lhs_hint = false} : vector<128x1024xbf16>, vector<1024x1536xbf16>, vector<128x1536xf32> -> vector<128x1536xf32>
        %slice3A = vector.extract_strided_slice %dot_general3A_105 {offsets = [0, 0], sizes = [128, 768], strides = [1, 1]} : vector<128x1536xf32> to vector<128x768xf32>
        %slice3A_106 = vector.extract_strided_slice %dot_general3A_105 {offsets = [0, 768], sizes = [128, 768], strides = [1, 1]} : vector<128x1536xf32> to vector<128x768xf32>
        %mul3A_107 = arith.mulf %slice3A_106, %slice3A : vector<128x768xf32>
        %logistic3A = arith.negf %slice3A : vector<128x768xf32>
        %logistic3A_108 = math.exp %logistic3A : vector<128x768xf32>
        %logistic3A_109 = arith.constant 1.000000e+00 : f32
        %logistic3A_110 = vector.broadcast %logistic3A_109 : f32 to vector<128x768xf32>
        %logistic3A_111 = arith.addf %logistic3A_110, %logistic3A_108 : vector<128x768xf32>
        %logistic3A_112 = arith.divf %logistic3A_110, %logistic3A_111 : vector<128x768xf32>
        %mul3A_113 = arith.mulf %mul3A_107, %logistic3A_112 : vector<128x768xf32>
        %convert_element_type3A_114 = arith.truncf %mul3A_113 : vector<128x768xf32> to vector<128x768xbf16>
        %dot_general3A_115 = arith.constant dense<0.000000e+00> : vector<128x1024xf32>
        %dot_general3A_116 = tpu.matmul %convert_element_type3A_114, %get3A_61, %dot_general3A_115 {dimension_numbers = #tpu.dot_dimension_numbers<[1], [0], [0], [1], [0, 0, 1, 1], [], []>, transpose_lhs_hint = false} : vector<128x768xbf16>, vector<768x1024xbf16>, vector<128x1024xf32> -> vector<128x1024xf32>
        %get3A_117 = arith.index_cast %mul3A_101 : i32 to index
        %get3A_118 = arith.constant 0 : index
        %get3A_119 = vector.load %arg3[%get3A_117, %get3A_118] : memref<4096x1xf32, #tpu.memory_space<vmem>>, vector<128x1xf32>
        %mul3A_120 = vector.broadcast %get3A_119 : vector<128x1xf32> to vector<128x1024xf32>
        %mul3A_121 = arith.mulf %dot_general3A_116, %mul3A_120 : vector<128x1024xf32>
        %iota3A = tpu.iota {dimensions = array<i32: 0>} : vector<128x1xi32>
        %add3A_122 = vector.broadcast %mul3A_101 : i32 to vector<128x1xi32>
        %add3A_123 = arith.addi %add3A_122, %iota3A : vector<128x1xi32>
        %ge3A = vector.broadcast %get3A_63 : i32 to vector<128x1xi32>
        %ge3A_124 = arith.cmpi sge, %add3A_123, %ge3A : vector<128x1xi32>
        %lt3A_125 = vector.broadcast %get3A_67 : i32 to vector<128x1xi32>
        %lt3A_126 = arith.cmpi slt, %add3A_123, %lt3A_125 : vector<128x1xi32>
        %and3A_127 = arith.andi %ge3A_124, %lt3A_126 : vector<128x1xi1>
        %get3A_128 = arith.index_cast %mul3A_101 : i32 to index
        %get3A_129 = arith.constant 0 : index
        %get3A_130 = vector.load %arg6[%get3A_128, %get3A_129] : memref<4096x1024xbf16, #tpu.memory_space<vmem>>, vector<128x1024xbf16>
        %convert_element_type3A_131 = arith.truncf %mul3A_121 : vector<128x1024xf32> to vector<128x1024xbf16>
        %broadcast_in_dim3A = vector.shape_cast %and3A_127 : vector<128x1xi1> to vector<128x1xi1>
        %broadcast_in_dim3A_132 = vector.broadcast %broadcast_in_dim3A : vector<128x1xi1> to vector<128x1024xi1>
        %select_n3A_133 = arith.select %broadcast_in_dim3A_132, %convert_element_type3A_131, %get3A_130 : vector<128x1024xi1>, vector<128x1024xbf16>
        %swap3A = arith.index_cast %mul3A_101 : i32 to index
        %swap3A_134 = arith.constant 0 : index
        %swap3A_135 = vector.load %arg6[%swap3A, %swap3A_134] : memref<4096x1024xbf16, #tpu.memory_space<vmem>>, vector<128x1024xbf16>
        tpu.vector_store %arg6[%swap3A, %swap3A_134], %select_n3A_133 {strides = array<i32>} : memref<4096x1024xbf16, #tpu.memory_space<vmem>>, vector<128x1024xbf16>,
        %while3A_136 = arith.constant 0 : i32
        scf.yield %while3A_136 : i32
      }
    }
    %scan3A_28 = arith.constant 8 : i32
    return
  }
  func.func @transform_0(%arg0: i32, %arg1: memref<9xi32, #tpu.memory_space<smem>>) -> (i32, i32) {
    %c0_i32 = arith.constant 0 : i32
    %c0_i32_0 = arith.constant 0 : i32
    %c0_i32_1 = arith.constant 0 : i32
    return %c0_i32, %c0_i32_0 : i32, i32
  }
  func.func @transform_1(%arg0: i32, %arg1: memref<9xi32, #tpu.memory_space<smem>>) -> (i32, i32) {
    %c0_i32 = arith.constant 0 : i32
    %c0_i32_0 = arith.constant 0 : i32
    %c0_i32_1 = arith.constant 0 : i32
    return %c0_i32, %c0_i32_0 : i32, i32
  }
  func.func @transform_4(%arg0: i32, %arg1: memref<9xi32, #tpu.memory_space<smem>>) -> (i32, i32) {
    %c0_i32 = arith.constant 0 : i32
    %c0_i32_0 = arith.constant 0 : i32
    %c0_i32_1 = arith.constant 0 : i32
    return %c0_i32, %c0_i32_0 : i32, i32
  }
}

</mosaic_0001>

<sc_bundles>
// kernel: gather_offload_async_start
scs
__scs_entry_jumppad:
0x0: {  	(pc) =	sbr.rel $0x88, $3  }
0x1: {  	(tag) =	ssettag $0x0;
	lr =	simm.s32 $0x1  }
0x2: {  	[smem:$0x3F9A] =	sst lr;
	_ =	strace $0xD0000000  }
0x3: {  	_ = 	snop  }
0x4: {  	_ = 	snop  }
0x5: {  	_ = 	snop  }
0x6: {  	_ = 	snop  }
0x7: {  	_ = 	snop  }
__scs_overlays_trampoline_lowered:
0x8: {  	[smem:$0x3FA9] =	sst s0  }
0x9: {  	[smem:$0x3FAA] =	sst s1  }
0xa: {  	[smem:$0x3FAB] =	sst s2  }
0xb: {  	[smem:$0x3FAC] =	sst s3  }
0xc: {  	[smem:$0x3FAD] =	sst s4  }
0xd: {  	[smem:$0x3FAE] =	sst s5  }
0xe: {  	[smem:$0x3FAF] =	sst s6  }
0xf: {  	[smem:$0x3FB0] =	sst s7  }
0x10: {  	[smem:$0x3FB1] =	sst s8  }
0x11: {  	[smem:$0x3FB2] =	sst s9;
	s0 =	simm.s32 @!p0 $0x0  }
0x12: {  	s1 =	sld [smem:$0x3F98];
	s0 =	simm.s32 @p0 $0x1  }
0x13: {  	[smem:$0x3FB3] =	sst s0;
	s0 =	simm.s32 @!p1 $0x0  }
0x14: {  	s2 =	sld [smem:$0x3F97];
	s0 =	simm.s32 @p1 $0x1  }
0x15: {  	[smem:$0x3FB4] =	sst s0;
	s0 =	simm.s32 @!p2 $0x0  }
0x16: {  	s3 =	sld [smem:$0x3FDB];
	s0 =	simm.s32 @p2 $0x1  }
0x17: {  	s4 =	simm.s32 $0x1BF5;
	[smem:$0x3FB6] =	sst s0  }
0x18: {  	s0 =	sld [smem:$0x3F99];
	_ =	swait.ge [sflag:s4], $0x0  }
0x19: {  	s7 =	sld [smem:$0x3F9A]  }
0x1a: {  	s8 =	sadd.s32 $0xFFFFE003, lr  }
0x1b: {  	s9 =	sadd.s32 $0xFFFFFEF7, lr;
	s5 =	simm.s32 $0xFFFFFFFF;
	p2 =	slt.u32 s8, $0xFFFFF086  }
0x1c: {  	p1 =	slt.u32 s9, $0xF7A;
	s5 =	simm.s32 @!p2 $0x0  }
0x1d: {  	s5 =	simm.s32 @p1 $0x1;
	p0 =	seq.s32 s7, s2  }
0x1e: {  	s7 =	smul.u32 @!p0 $0xF7A, s2;
	p2 =	seq.s32 @!p0 s5, $0x0  }
0x1f: {  	s9 =	smul.u32 $0xF7A, s1;
	s8 =	simm.s32 @!p0 $0x1BF5;
	p2 =	por !p2, p0  }
0x20: {  	[sflag:s8] =	ssyncset.s32 @!p0 $0xFFFFF086;
	s6 =	sadd.s32 @!p0 s3, s7;
	s7 =	simm.s32 @!p0 $0x108  }
0x21: {  	s3 =	sadd.s32 s3, s9;
	s6 =	sadd.s32 @!p0 $0x88, s6;
	s7 =	simm.s32 @p2 $0x1082  }
0x22: {  	[simem:s7], [sflag:s8] =	dma.local @!p0 [hbm:s6], $0xF7A  }
0x23: {  	s9 =	sor.u32 $0xD0000000, s2;
	s6 =	simm.s32 $0x108;
	_ =	swait.ge @!p0 [sflag:s8], $0x0  }
0x24: {  	s3 =	sadd.s32 $0x88, s3;
	s6 =	simm.s32 @!p1 $0x1082;
	[sflag:s4] =	ssyncset.s32 $0xFFFFF086  }
0x25: {  	[simem:s6], [sflag:s4] =	dma.local [hbm:s3], $0xF7A  }
0x26: {  	[smem:$0x3F9A] =	sst s1;
	(tag) =	ssettag s2;
	_ =	strace s9  }
0x27: {  	s1 =	sld [smem:$0x3FAA]  }
0x28: {  	s2 =	sld [smem:$0x3FAB]  }
0x29: {  	s4 =	sld [smem:$0x3FAD]  }
0x2a: {  	p0 =	seq.s32 s5, $0x0;
	s5 =	sld [smem:$0x3FAE]  }
0x2b: {  	s6 =	sld [smem:$0x3FAF]  }
0x2c: {  	s7 =	sld [smem:$0x3FB0]  }
0x2d: {  	s3 =	simm.s32 $0x108;
	s8 =	sld [smem:$0x3FB1]  }
0x2e: {  	s3 =	simm.s32 @!p0 $0x1082;
	s9 =	sld [smem:$0x3FB2]  }
0x2f: {  	lr =	sadd.s32 s0, s3;
	s0 =	sld [smem:$0x3FA9]  }
0x30: {  	s3 =	sld [smem:$0x3FAC]  }
0x31: {  	[smem:$0x3FB5] =	sst s10  }
0x32: {  	s10 =	sld [smem:$0x3FB3];
	_ =	sdelay $0x3  }
0x33: {  	p0 =	seq.s32 s10, $0x1;
	s10 =	sld [smem:$0x3FB5];
	_ =	sdelay $0x3  }
0x34: {  	[smem:$0x3FB5] =	sst s10  }
0x35: {  	s10 =	sld [smem:$0x3FB4];
	_ =	sdelay $0x3  }
0x36: {  	p1 =	seq.s32 s10, $0x1;
	s10 =	sld [smem:$0x3FB5];
	_ =	sdelay $0x3  }
0x37: {  	[smem:$0x3FB5] =	sst s10  }
0x38: {  	s10 =	sld [smem:$0x3FB6]  }
0x39: {  	_ = 	snop;
	(pc) =	sbr.ind lr, $3  }
0x3a: {  	_ = 	snop  }
0x3b: {  	_ = 	snop  }
0x3c: {  	p2 =	seq.s32 s10, $0x1;
	s10 =	sld [smem:$0x3FB5]  }
0x3d: {  	_ =	shalt  }
0x3e: {  	_ =	shalt  }
0x3f: {  	_ =	shalt  }
0x40: {  	_ =	shalt  }
0x41: {  	_ =	shalt  }
0x42: {  	_ =	shalt  }
0x43: {  	_ =	shalt  }
0x44: {  	_ =	shalt  }
0x45: {  	_ =	shalt  }
0x46: {  	_ =	shalt  }
0x47: {  	_ =	shalt  }
0x48: {  	_ =	shalt  }
0x49: {  	_ =	shalt  }
0x4a: {  	_ =	shalt  }
0x4b: {  	_ =	shalt  }
0x4c: {  	_ =	shalt  }
0x4d: {  	_ =	shalt  }
0x4e: {  	_ =	shalt  }
0x4f: {  	_ =	shalt  }
0x50: {  	_ =	shalt  }
0x51: {  	_ =	shalt  }
0x52: {  	_ =	shalt  }
0x53: {  	_ =	shalt  }
0x54: {  	_ =	shalt  }
0x55: {  	_ =	shalt  }
0x56: {  	_ =	shalt  }
0x57: {  	_ =	shalt  }
0x58: {  	_ =	shalt  }
0x59: {  	_ =	shalt  }
0x5a: {  	_ =	shalt  }
0x5b: {  	_ =	shalt  }
0x5c: {  	_ =	shalt  }
0x5d: {  	_ =	shalt  }
0x5e: {  	_ =	shalt  }
0x5f: {  	_ =	shalt  }
0x60: {  	_ =	shalt  }
0x61: {  	_ =	shalt  }
0x62: {  	_ =	shalt  }
0x63: {  	_ =	shalt  }
0x64: {  	_ =	shalt  }
0x65: {  	_ =	shalt  }
0x66: {  	_ =	shalt  }
0x67: {  	_ =	shalt  }
0x68: {  	_ =	shalt  }
0x69: {  	_ =	shalt  }
0x6a: {  	_ =	shalt  }
0x6b: {  	_ =	shalt  }
0x6c: {  	_ =	shalt  }
0x6d: {  	_ =	shalt  }
0x6e: {  	_ =	shalt  }
0x6f: {  	_ =	shalt  }
0x70: {  	_ =	shalt  }
0x71: {  	_ =	shalt  }
0x72: {  	_ =	shalt  }
0x73: {  	_ =	shalt  }
0x74: {  	_ =	shalt  }
0x75: {  	_ =	shalt  }
0x76: {  	_ =	shalt  }
0x77: {  	_ =	shalt  }
0x78: {  	_ =	shalt  }
0x79: {  	_ =	shalt  }
0x7a: {  	_ =	shalt  }
0x7b: {  	_ =	shalt  }
0x7c: {  	_ =	shalt  }
0x7d: {  	_ =	shalt  }
0x7e: {  	_ =	shalt  }
0x7f: {  	_ =	shalt  }
0x80: {  	_ =	shalt  }
0x81: {  	_ =	shalt  }
0x82: {  	_ =	shalt  }
0x83: {  	_ =	shalt  }
0x84: {  	_ =	shalt  }
0x85: {  	_ =	shalt  }
0x86: {  	_ =	shalt  }
0x87: {  	_ =	shalt  }
.Lfunc_end0:
.L_simem_size_0:
called_computation_lowered:
.L_overlay_start_0:
0x88: {  	s2 =	sld [smem:$0x3FD9]  }
0x89: {  	s3 =	sld [smem:$0x3FFE];
	_ =	sdelay $0x1  }
0x8a: {  	s1 =	srdreg.scid  }
0x8b: {  	s0 =	sand.u32 $0x1, s1  }
0x8c: {  	s17 =	sshll.u32 s0, $0xA;
	s2 =	sadd.s32 s3, s2  }
0x8d: {  	s2 =	sadd.s32 s2, s17  }
0x8e: {  	[smem:$0x3FC1] =	sst s2  }
0x8f: {  	_ = 	snop  }
0x90: {  	s2 =	sld [smem:$0x3FD0];
	(tm) =	ssettm $0x1  }
0x91: {  	s18 =	sld [smem:$0x3FFB];
	_ =	sdelay $0x3  }
0x92: {  	_ =	strace s18  }
0x93: {  	s3 =	sld [smem:$0x3FFC];
	_ =	sdelay $0x3  }
0x94: {  	_ =	strace s3  }
0x95: {  	s3 =	sld [smem:$0x3FFD];
	_ =	sdelay $0x3  }
0x96: {  	_ =	strace s3  }
0x97: {  	_ =	strace $0x8FFFFFFF  }
0x98: {  	s19 =	sld [smem:$0x3FDB];
	_ =	sdelay $0x1  }
0x99: {  	s4 =	simm.s32 $_scs_section_size  }
0x9a: {  	s5 =	simm.s32 $_size__tile_overlayer_lowered;
	s6 =	simm.s32 $_tile_overlayer_lowered  }
0x9b: {  	s22 =	simm.s32 $0x1BFF;
	s21 =	sshll.u32 s6, $0x1;
	s3 =	sadd.s32 s4, s19  }
0x9c: {  	s7 =	simm.s32 $0x0;
	s20 =	sshll.u32 s5, $0x1;
	s5 =	sadd.s32 s21, s3  }
0x9d: {  	[timem:s7], [sflag:s22] =	dma.local [hbm:s5], s20  }
0x9e: {  	_ =	swait.ge [sflag:s22], s20  }
0x9f: {  	s4 =	ssub.s32 $0x0, s20;
	[sflag:s22] =	ssyncset.done $0x0  }
0xa0: {  	[sflag:s22] =	ssyncadd.s32 s4;
	_ =	sdelay $0x1  }
0xa1: {  	s23 =	simm.s32 $0x1B8B  }
0xa2: {  	_ =	swait.ge [sflag:s23], $0x1  }
0xa3: {  	[sflag:s23] =	ssyncset.done $0x0  }
0xa4: {  	s25 =	simm.s32 $0x1B8E;
	s24 =	sld [smem:$0x3FFE];
	[sflag:s23] =	ssyncadd.s32 $0xFFFFFFFF  }
0xa5: {  	s26 =	simm.s32 $execute0_lowered;
	[smem:$0x3FD2] =	sst s25  }
0xa6: {  	s5 =	sshll.u32 s26, $0x1;
	_ =	strace $0x80000046;
	[dreg:$0x1] =	wrdreg $0xFFFFFFFF  }
0xa7: {  	s28 =	simm.s32 $_size_execute0_lowered;
	s3 =	sadd.s32 s3, s5;
	[dreg:$0x0] =	wrdreg $0x0  }
0xa8: {  	s5 =	sshll.u32 s28, $0x1;
	[dreg:$0x2] =	wrdreg s3  }
0xa9: {  	[dreg:$0x3] =	wrdreg s5  }
0xaa: {  	[dreg:$0x4] =	wrdreg $0xC0  }
0xab: {  	_ =	task [dreg:s7], $0x5FFFF  }
0xac: {  	[dreg:$0x1] =	wrdreg $0xFFFFFFFF  }
0xad: {  	[dreg:$0x0] =	wrdreg $0x60  }
0xae: {  	[dreg:$0x2] =	wrdreg s24  }
0xaf: {  	[dreg:$0x3] =	wrdreg s2  }
0xb0: {  	[dreg:$0x4] =	wrdreg $0x9  }
0xb1: {  	_ =	task.clear_ibuf [dreg:s7], $0x5FFFF;
	_ =	strace $0x90000046  }
0xb2: {  	s29 =	simm.s32 $0x9;
	_ =	strace $0x80000048  }
0xb3: {  	_ =	swait.ge [sflag:s29], $0x1  }
0xb4: {  	[sflag:s29] =	ssyncadd.s32 $0xFFFFFFFF  }
0xb5: {  	_ =	strace $0x90000048  }
0xb6: {  	_ =	sfence  }
0xb7: {  	s30 =	sld [smem:$0x0];
	_ =	sdelay $0x2  }
0xb8: {  	s31 =	sshll.u32 s1, $0xD;
	s1 =	sshrl.u32 s1, $0x2  }
0xb9: {  	s3 =	sand.u32 $0x4000, s31;
	s1 =	sadd.s32 s1, s30  }
0xba: {  	s0 =	sor.u32 s3, s0;
	s1 =	sshll.u32 s1, $0x11  }
0xbb: {  	s0 =	sor.u32 s1, s0  }
0xbc: {  	s0 =	sadd.s32 $0x8F2B, s0  }
0xbd: {  	[sflag:s0] =	ssyncadd.remote.s32 $0x1  }
0xbe: {  	_ =	sfence.sel $0xFFFF  }
0xbf: {  	[dreg:$0x0] =	wrdreg $0xFFFFFFFF;
	(pc) =	sbr.abs _section_cstart, $3  }
0xc0: {  	[dreg:$0x1] =	wrdreg $0xFFFFFFFF  }
0xc1: {  	_ =	task.clear_ibuf [dreg:s7], $0x2FFFF;
	_ =	strace $0x9FFFFFFF  }
0xc2: {  	(tm) =	ssettm $0x7FFFFFFF  }
0xc3: {  	_ =	shalt  }
tec
execute0_lowered:
.L_overlay_start_1:
0x0: {  	(tag) =	ssettag $0x1  }
0x1: {  	s1 =	srdreg.scid;
	s2 =	rddreg [dreg:$0x0]  }
0x2: {  	s0 =	stileid.u32;
	s3 =	rddreg [dreg:$0x1]  }
0x3: {  	s6 =	simm.s32 $0x1;
	s9 =	simm.s32 $0x1;
	s1 =	sshll.u32 s1, $0x6  }
0x4: {  	s10 =	simm.s32 $0x3;
	s4 =	sshll.u32 s0, $0x7;
	s5 =	sand.u32 $0x40, s1  }
0x5: {  	s13 =	simm.s32 $0x0;
	s12 =	simm.s32 $0x0;
	s4 =	sor.u32 s4, s5  }
0x6: {  	s1 =	rddreg [dreg:$0x2];
	_ =	strace $0x80000047;
	s8 =	ssub.s32 $0x1000, s4  }
.Ltmp0:
0x7: {  	s5 =	sadd.s32 $0xC00, s2;
	s7 =	sand.u32 $0x7C0, s8;
	(pc) =	sbr.rel .LBB2_1-.Ltmp0, $4  }
0x8: {  	[sflag:s6] =	ssyncpa.u1 $0x0;
	s11 =	smov.u32 s4;
	p0 =	sne.s32 s7, $0x0  }
0x9: {  	s8 =	sshrl.u32 s8, $0xB;
	s7 =	simm.s32 $0x2;
	s9 =	simm.s32 @!p0 $0x0  }
0xa: {  	[sflag:s7] =	ssyncpa.u1 $0x0;
	p0 =	por $0x0, $0x0;
	s8 =	sadd.s32 s9, s8  }
0xb: {  	vm0 =	vmmov $0xffff;
	[sflag:s10] =	ssyncpa.u1 $0x0;
	s10 =	simm.s32 $0x0;
	s9 =	sadd.s32 $0x1, s8  }
.LBB2_4:
0xc: {  	v2 =	vnsel vm1, $0x0, v2  }
0xd: {  	vm1 =	vgt.s32 v0, $0x0;
	v2 =	vmin.u32 v2, $0xFFF  }
0xe: {  	v0 =	vnsel vm1, $0x0, v0  }
0xf: {  	v0 =	vmin.u32 v0, $0xFFF  }
0x10: {  	[tilespmem:s15], [sflag:$0x1] =	stream.indirect_vreg.gather [hbm4b:s5+s10], $0x1, v1, vm0, $0x4038;
	[tilespmem:$0x100] =	vst v63  }
0x11: {  	(ifvalue) =	ssetifvalue $0x7FFFFFFF  }
0x12: {  	[tilespmem:s16], [sflag:$0x1] =	stream.indirect_vreg.gather [hbm4b:s5+s10], $0x1, v2, vm0, $0x4038;
	[tilespmem:$0x100] =	vst v63  }
0x13: {  	s29 =	sadd.s32 $0x10, s16;
	(ifvalue) =	ssetifvalue $0x7FFFFFFF  }
0x14: {  	[tilespmem:s29], [sflag:$0x1] =	stream.indirect_vreg.gather [hbm4b:s5+s10], $0x1, v0, vm0, $0x4038;
	[tilespmem:$0x100] =	vst v63  }
0x15: {  	_ =	swait.ge [sflag:s6], $0x40  }
0x16: {  	s30 =	sshrl.u32 s13, $0x3;
	[sflag:s6] =	ssyncset.done $0x0  }
0x17: {  	s31 =	sand.u32 $0x7, s13;
	s15 =	sadd.s32 s2, s30;
	[sflag:s6] =	ssyncadd.s32 $0xFFFFFFC0  }
0x18: {  	[hbm4b:s15+s31] =	stream.linear.scatter [tilespmem:s14], [sflag:$0x3], $0x40, $0x38;
	[tilespmem:$0x100] =	vst v63  }
.LBB2_5:
0x19: {  	s15 =	sadd.s32 $0x800, s11  }
0x1a: {  	p2 =	sgt.s32 s15, $0xFFF  }
0x1b: {  	s15 =	smov.u32 @p2 s4;
	p2 =	sne.s32 s12, s9  }
.Ltmp1:
0x1c: {  	p1 =	slt.u32 s12, $0x2;
	(pc) =	sbr.rel @!p2 .LBB2_6-.Ltmp1, $4  }
0x1d: {  	s14 =	simm.s32 @!p1 $0x3  }
0x1e: {  	s16 =	sadd.s32 $0x1, s12;
	_ =	swait.ge @!p1 [sflag:s14], $0x40  }
0x1f: {  	s13 =	smov.u32 s11;
	p0 =	por !p0, !p0;
	[sflag:s14] =	ssyncset.done @!p1 $0x0  }
0x20: {  	s12 =	smov.u32 s16;
	s11 =	smov.u32 s15;
	[sflag:s14] =	ssyncadd.s32 @!p1 $0xFFFFFFC0  }
.LBB2_1:
0x21: {  	p1 =	sge.u32 s12, s8  }
0x22: {  	s14 =	sxor.u32 @!p1 $0xFFFFFFFF, s12  }
0x23: {  	s31 =	sadd.s32 $0xFFFFFFFF, s12;
	s15 =	sshrl.u32 @!p1 s11, $0x3;
	s14 =	sshll.u32 @!p1 s14, $0x6  }
0x24: {  	s16 =	sand.u32 @!p1 $0x7, s11;
	s15 =	sadd.s32 @!p1 s3, s15;
	s14 =	sand.u32 @!p1 $0x40, s14  }
0x25: {  	[tilespmem:s14], [sflag:$0x2] =	stream.linear.gather @!p1 [hbm4b:s15+s16], $0x40, $0x38;
	[tilespmem:$0x100] =	vst v63  }
0x26: {  	p1 =	sge.u32 s31, s8  }
.Ltmp2:
0x27: {  	_ = 	snop;
	(pc) =	sbr.rel @p1 .LBB2_5-.Ltmp2, $1  }
0x28: {  	_ =	sdelay $0x3  }
0x29: {  	s14 =	simm.s32 $0x1  }
0x2a: {  	_ =	swait.ge [sflag:s7], $0x40;
	s14 =	simm.s32 @!p0 $0x0  }
0x2b: {  	[sflag:s7] =	ssyncset.done $0x0;
	s14 =	sshll.u32 s14, $0x6  }
0x2c: {  	[sflag:s7] =	ssyncadd.s32 $0xFFFFFFC0;
	(ifvalue) =	ssetifvalue $0x7FFFFFFF;
	v0 =	vld.msk [tilespmem:s14+$0x0 ss:$0x1], $0xffff;
	_ =	sdelay $0x4  }
0x2d: {  	s15 =	sadd.s32 $0x10, s14;
	vm1 =	vgt.s32 v0, $0x0  }
0x2e: {  	v2 =	vld.msk [tilespmem:s15+$0x0 ss:$0x1], $0xffff;
	v1 =	vnsel vm1, $0x0, v0  }
0x2f: {  	v1 =	vmin.u32 v1, $0xFFF;
	_ =	sdelay $0x1  }
0x30: {  	s16 =	sshll.u32 s12, $0x6;
	s18 =	simm.s32 $0x20  }
0x31: {  	s16 =	sand.u32 $0x40, s16;
	s17 =	sadd.s32 $0x10, s15;
	s15 =	sor.u32 $0x80, s14  }
0x32: {  	s14 =	sor.u32 $0x80, s16;
	s16 =	sadd.s32 $0x10, s15;
	v0 =	vld.msk [tilespmem:s17+$0x0 ss:$0x1], $0xffff;
	vm1 =	vgt.s32 v2, $0x0;
	(ifvalue) =	ssetifvalue $0x7FFFFFFF  }
.LBB2_3:
0x33: {  	[tilespmem:s15], [sflag:$0x1] =	stream.indirect_vreg.gather [hbm4b:s5+s10], $0x1, v1, vm0, $0x4038;
	[tilespmem:$0x100] =	vst v63  }
0x34: {  	s18 =	sadd.s32 $0x10, s18  }
0x35: {  	v2 =	vnsel vm1, $0x0, v2;
	p1 =	slt.u32 s18, $0x30  }
.Ltmp3:
0x36: {  	s15 =	smov.u32 s16;
	v1 =	vmin.u32 v2, $0xFFF;
	(pc) =	sbr.rel @p1 .LBB2_3-.Ltmp3, $3  }
0x37: {  	_ =	sdelay $0x1  }
0x38: {  	s17 =	sadd.s32 $0x10, s17  }
0x39: {  	vm1 =	vgt.s32 v0, $0x0;
	s16 =	sadd.s32 $0x10, s16;
	v2 =	vmov v0;
	(ifvalue) =	ssetifvalue $0x7FFFFFFF;
	v0 =	vld.msk [tilespmem:s17+$0x0 ss:$0x1], $0xffff  }
.Ltmp4:
0x3a: {  	_ = 	snop;
	(pc) =	sbr.rel .LBB2_4-.Ltmp4, $1  }
0x3b: {  	_ =	sdelay $0x3  }
.LBB2_6:
0x3c: {  	_ =	sfence.sel $0x180000  }
0x3d: {  	s2 =	simm.s32 $0x2;
	[bflag:$0x0] =	sbarrier.arrive $0xFFFF  }
0x3e: {  	s30 =	simm.s32 $0x3;
	[sflag:s2] =	ssyncpa.u1 $0x1  }
0x3f: {  	s31 =	simm.s32 $0x1;
	[sflag:s30] =	ssyncpa.u1 $0x1  }
0x40: {  	[sflag:s31] =	ssyncpa.u1 $0x1  }
0x41: {  	p0 =	sne.s32 s0, $0x0;
	_ =	strace $0x90000047  }
0x42: {  	s0 =	sadd.s32 @!p0 $0x100000, s1;
	[bflag:$0x2] =	sbarrier.arrive $0xFFFF  }
0x43: {  	[sflag:s0] =	ssyncadd.tile.s32 @!p0 $0x1;
	_ =	shalt  }
.Lfunc_end2:
_tile_overlayer_lowered:
.L_overlay_start_2:
0x44: {  	(tag) =	ssettag $0x2  }
0x45: {  	s0 =	rddreg [dreg:$0x0];
	s2 =	stileid.u32  }
0x46: {  	s1 =	rddreg [dreg:$0x1];
	p0 =	sne.s32 s2, $0x0  }
0x47: {  	s3 =	rddreg [dreg:$0x2];
	[bflag:$0x3] =	sbarrier.arrive $0xFFFF;
	s2 =	simm.s32 @!p0 $0x1C01  }
0x48: {  	[timem:s3], [sflag:s2] =	dma.local @!p0 [hbm:s0], s1  }
0x49: {  	s0 =	simm.s32 @!p0 $0x1  }
0x4a: {  	_ =	swait.ge @!p0 [sflag:s0], s1  }
0x4b: {  	s1 =	ssub.s32 @!p0 $0x0, s1;
	[sflag:s0] =	ssyncset.done @!p0 $0x0  }
0x4c: {  	[sflag:s0] =	ssyncadd.s32 @!p0 s1  }
0x4d: {  	[bflag:$0x3] =	sbarrier.arrive $0xFFFF  }
0x4e: {  	_ =	shalt  }

</sc_bundles>
